<compile_context>
chip_gen: v7x
topology: tpu7x:2x2x1
jax: 0.10.2.dev20260603
libtpu: 0.0.44.dev20260713+nightly
codegen_flags: <defaults>
</compile_context>

<pallas_src>
import functools

import jax
import jax.numpy as jnp
from jax import lax
from jax.experimental import pallas as pl
from jax.experimental.pallas import tpu as pltpu
from jax.experimental.pallas import tpu_sc as plsc

_B, _N, _K = 4, 4096, 16
_NC, _NS, _L = 2, 16, 16
_NW = _NC * _NS
_QPW = _B * _N // _NW
_WPB = _N // _QPW
_INTER = 8

_mesh = plsc.VectorSubcoreMesh(
    core_axis_name="c", subcore_axis_name="s",
    num_cores=_NC, num_subcores=_NS,
)


@functools.partial(
    pl.kernel,
    out_type=jax.ShapeDtypeStruct((_B * _N, _K), jnp.float32),
    mesh=_mesh,
    compiler_params=pltpu.CompilerParams(needs_layout_passes=False),
    scratch_types=[
        pltpu.VMEM((_QPW,), jnp.float32),
        pltpu.VMEM((_QPW,), jnp.float32),
        pltpu.VMEM((_QPW,), jnp.float32),
        pltpu.VMEM((_N,), jnp.float32),
        pltpu.VMEM((_N,), jnp.float32),
        pltpu.VMEM((_N,), jnp.float32),
        pltpu.VMEM((_N,), jnp.float32),
        pltpu.VMEM((_QPW, _K), jnp.float32),
    ],
)
def _sc_topk(qx, qy, qz, tx, ty, tz, out,
             qx_v, qy_v, qz_v, tx_v, ty_v, tz_v, tn_v, out_v):
    wid = lax.axis_index("s") * _NC + lax.axis_index("c")
    b = wid // _WPB
    qbase = wid * _QPW
    tbase = b * _N

    pltpu.sync_copy(tx.at[pl.ds(tbase, _N)], tx_v)
    pltpu.sync_copy(ty.at[pl.ds(tbase, _N)], ty_v)
    pltpu.sync_copy(tz.at[pl.ds(tbase, _N)], tz_v)
    pltpu.sync_copy(qx.at[pl.ds(qbase, _QPW)], qx_v)
    pltpu.sync_copy(qy.at[pl.ds(qbase, _QPW)], qy_v)
    pltpu.sync_copy(qz.at[pl.ds(qbase, _QPW)], qz_v)

    def tn_body(j, _):
        off = pl.multiple_of(j * _L, _L)
        a = tx_v[pl.ds(off, _L)]
        c = ty_v[pl.ds(off, _L)]
        d = tz_v[pl.ds(off, _L)]
        tn_v[pl.ds(off, _L)] = a * a + c * c + d * d
        return 0
    lax.fori_loop(0, _N // _L, tn_body, 0)

    def group_body(g, _):
        base = pl.multiple_of(g * _L, _L)
        qxv = qx_v[pl.ds(base, _L)]
        qyv = qy_v[pl.ds(base, _L)]
        qzv = qz_v[pl.ds(base, _L)]
        for h in range(_L // _INTER):
            q2x, q2y, q2z, qn = [], [], [], []
            for u in range(_INTER):
                sx = qxv[h * _INTER + u]
                sy = qyv[h * _INTER + u]
                sz = qzv[h * _INTER + u]
                q2x.append(jnp.full((_L,), sx * 2.0, jnp.float32))
                q2y.append(jnp.full((_L,), sy * 2.0, jnp.float32))
                q2z.append(jnp.full((_L,), sz * 2.0, jnp.float32))
                qn.append(sx * sx + sy * sy + sz * sz)

            def j_body(j, bests):
                off = pl.multiple_of(j * _L, _L)
                a = tx_v[pl.ds(off, _L)]
                c = ty_v[pl.ds(off, _L)]
                d = tz_v[pl.ds(off, _L)]
                n = tn_v[pl.ds(off, _L)]
                new = []
                for u in range(_INTER):
                    s = n - (a * q2x[u] + c * q2y[u] + d * q2z[u])
                    cd, _unused = plsc.sort_key_val(s, s, descending=True)
                    m = jnp.minimum(bests[u], cd)
                    ba, _unused = plsc.sort_key_val(m, m)
                    new.append(ba)
                return tuple(new)

            init = tuple(jnp.full((_L,), jnp.inf, jnp.float32)
                         for _u in range(_INTER))
            bests = lax.fori_loop(0, _N // _L, j_body, init)
            for u in range(_INTER):
                i = g * _L + h * _INTER + u
                out_v[i, :] = bests[u] + jnp.full((_L,), qn[u], jnp.float32)
        return 0

    lax.fori_loop(0, _QPW // _L, group_body, 0)
    pltpu.sync_copy(out_v, out.at[pl.ds(qbase, _QPW)])


_RPB = _N * _K // 128
_WRB = _N // 128


def _tc_loss_body(d2_ref, wrep_ref, w_ref, out_ref):
    acc = jnp.float32(0.0)
    for b in range(_B):
        dist = jnp.sqrt(jnp.maximum(d2_ref[b], 0.0))
        num = jnp.sum(dist * wrep_ref[b])
        den = jnp.sum(w_ref[b])
        acc += num / (den * _K)
    out_ref[0, 0] = acc / _B


_tc_loss = pl.pallas_call(
    _tc_loss_body,
    out_shape=jax.ShapeDtypeStruct((1, 1), jnp.float32),
    out_specs=pl.BlockSpec(memory_space=pltpu.SMEM),
)


def kernel(pc_source, pc_target, pred_flow, weights):
    q = pc_source + pred_flow
    qx = q[..., 0].reshape(-1)
    qy = q[..., 1].reshape(-1)
    qz = q[..., 2].reshape(-1)
    tx = pc_target[..., 0].reshape(-1)
    ty = pc_target[..., 1].reshape(-1)
    tz = pc_target[..., 2].reshape(-1)
    d2_top = _sc_topk(qx, qy, qz, tx, ty, tz)
    d2r = d2_top.reshape(_B, _RPB, 128)
    wrep = jnp.repeat(weights, _K, axis=1).reshape(_B, _RPB, 128)
    wr = weights.reshape(_B, _WRB, 128)
    loss = _tc_loss(d2r, wrep, wr)
    return loss.reshape(())

# --- scband reference (transcript-rebuilt; emitter-appended) ---
"""Pipeline reference for scband-weighted-chamfer-loss-59923383714444 (READ-ONLY COPY).

The authoritative reference and input builder live on the scoring server;
editing this copy changes nothing except your own understanding.
"""

import jax, jax.numpy as jnp
import numpy as np

K = 16
LOSS_NORM = 2
B, N = 4, 4096

def setup_inputs(seed: int = 0) -> dict:
    key = jax.random.key(seed)
    k1, k2, k3, k4 = jax.random.split(key, 4)
    pc_source = jax.random.normal(k1, (B, N, 3), dtype=jnp.float32)
    pc_target = jax.random.normal(k2, (B, N, 3), dtype=jnp.float32)
    pred_flow = jax.random.normal(k3, (B, N, 3), dtype=jnp.float32)
    weights = jax.random.uniform(k4, (B, N), dtype=jnp.float32)
    return {"pc_source": pc_source, "pc_target": pc_target, "pred_flow": pred_flow, "weights": weights}

def _knn_idx(query, database, k):
    # query [B, Nq, 3], database [B, Nd, 3] -> idx [B, Nq, k] into database
    d2 = jnp.sum((query[:, :, None, :] - database[:, None, :, :]) ** 2, axis=-1)
    _, idx = jax.lax.top_k(-d2, k)
    return idx

def _group(points, idx):
    # points [B, Nd, 3], idx [B, Nq, k] -> [B, Nq, k, 3]
    return jax.vmap(lambda p, i: p[i])(points, idx)

def reference(pc_source, pc_target, pred_flow, weights):
    pc_pred = pc_source + pred_flow
    idx = _knn_idx(pc_pred, pc_target, K)  # knn of pc_pred into pc_target
    idx = jax.lax.stop_gradient(idx)       # idx.detach()
    nn1 = _group(pc_target, idx)           # [B, N, K, 3]
    diff = pc_pred[:, :, None, :] - nn1    # [B, N, K, 3]
    dist = jnp.power(jnp.sum(jnp.power(jnp.abs(diff), LOSS_NORM), axis=-1), 1.0 / LOSS_NORM)  # p-norm over coord dim
    dist1 = jnp.mean(dist, axis=-1)        # mean over k -> [B, N]
    dist1 = dist1 * weights
    dist1 = jnp.mean(dist1, axis=1)        # [B]
    dist1 = dist1 / jnp.mean(weights, axis=1)  # weights is 2D -> mean over dim 1
    return jnp.mean(dist1)

if __name__ == "__main__":
    import jax
    _d = setup_inputs()
    print(jax.jit(kernel)(*tuple(_d.values())))

</pallas_src>

<mosaic_0001>
#map = affine_map<(d0, d1) -> (0)>
#map1 = affine_map<(d0, d1) -> (0, 0)>
module attributes {stable_mosaic.version = 14 : i64} {
  func.func @_sc_topk(%arg0: i32, %arg1: i32, %arg2: memref<16384xf32, #tpu.memory_space<hbm>>, %arg3: memref<16384xf32, #tpu.memory_space<hbm>>, %arg4: memref<16384xf32, #tpu.memory_space<hbm>>, %arg5: memref<16384xf32, #tpu.memory_space<hbm>>, %arg6: memref<16384xf32, #tpu.memory_space<hbm>>, %arg7: memref<16384xf32, #tpu.memory_space<hbm>>, %arg8: memref<16384x16xf32, #tpu.memory_space<hbm>>, %arg9: memref<512xf32, #tpu.memory_space<vmem>>, %arg10: memref<512xf32, #tpu.memory_space<vmem>>, %arg11: memref<512xf32, #tpu.memory_space<vmem>>, %arg12: memref<4096xf32, #tpu.memory_space<vmem>>, %arg13: memref<4096xf32, #tpu.memory_space<vmem>>, %arg14: memref<4096xf32, #tpu.memory_space<vmem>>, %arg15: memref<4096xf32, #tpu.memory_space<vmem>>, %arg16: memref<512x16xf32, #tpu.memory_space<vmem>>) attributes {dimension_semantics = [#tpu.dimension_semantics<core_parallel>, #tpu.dimension_semantics<subcore_parallel>], iteration_bounds = array<i64: 2, 16>, scalar_prefetch = 0 : i64, scratch_operands = 8 : i64, tpu.core_type = #tpu.core_type<sc_vector_subcore>, window_params = [{transform_indices = #map}, {transform_indices = #map}, {transform_indices = #map}, {transform_indices = #map}, {transform_indices = #map}, {transform_indices = #map}, {transform_indices = #map1}]} {
    %mul3A = arith.constant 2 : i32
    %mul3A_0 = arith.muli %arg1, %mul3A : i32
    %add3A = arith.addi %mul3A_0, %arg0 : i32
    %jit3A = arith.constant 8 : i32
    %div3A = arith.divsi %add3A, %jit3A : i32
    %sign3A = arith.constant 0 : i32
    %sign3A_1 = arith.cmpi sgt, %add3A, %sign3A : i32
    %sign3A_2 = arith.extui %sign3A_1 : i1 to i32
    %sign3A_3 = arith.constant 0 : i32
    %sign3A_4 = arith.cmpi slt, %add3A, %sign3A_3 : i32
    %sign3A_5 = arith.extui %sign3A_4 : i1 to i32
    %sign3A_6 = arith.subi %sign3A_2, %sign3A_5 : i32
    %sign3A_7 = arith.constant 0 : i32
    %sign3A_8 = arith.cmpi sgt, %jit3A, %sign3A_7 : i32
    %sign3A_9 = arith.extui %sign3A_8 : i1 to i32
    %sign3A_10 = arith.constant 0 : i32
    %sign3A_11 = arith.cmpi slt, %jit3A, %sign3A_10 : i32
    %sign3A_12 = arith.extui %sign3A_11 : i1 to i32
    %sign3A_13 = arith.subi %sign3A_9, %sign3A_12 : i32
    %ne3A = arith.cmpi ne, %sign3A_6, %sign3A_13 : i32
    %rem3A = arith.remsi %add3A, %jit3A : i32
    %ne3A_14 = arith.constant 0 : i32
    %ne3A_15 = arith.cmpi ne, %rem3A, %ne3A_14 : i32
    %and3A = arith.andi %ne3A, %ne3A_15 : i1
    %sub3A = arith.constant 1 : i32
    %sub3A_16 = arith.subi %div3A, %sub3A : i32
    %select_n3A = arith.select %and3A, %sub3A_16, %div3A : i32
    %mul3A_17 = arith.constant 512 : i32
    %mul3A_18 = arith.muli %add3A, %mul3A_17 : i32
    %mul3A_19 = arith.constant 4096 : i32
    %mul3A_20 = arith.muli %select_n3A, %mul3A_19 : i32
    "tpu.region"() ({
      %run_scoped3A = tpu.sem_alloc : memref<!tpu.dma_semaphore, #tpu.memory_space<semaphore_mem>>
      %dma_start3A = tpu.memref_slice %arg5[%mul3A_20] : memref<16384xf32, #tpu.memory_space<hbm>> -> memref<4096xf32, #tpu.memory_space<hbm>>
      %dma_start3A_34 = tpu.memref_slice %arg5[%mul3A_20] : memref<16384xf32, #tpu.memory_space<hbm>> -> memref<4096xf32, #tpu.memory_space<hbm>>
      tpu.enqueue_dma source(%dma_start3A_34 : memref<4096xf32, #tpu.memory_space<hbm>>) target(%arg12 : memref<4096xf32, #tpu.memory_space<vmem>>) target_semaphore(%run_scoped3A : memref<!tpu.dma_semaphore, #tpu.memory_space<semaphore_mem>>)
      %dma_wait3A = tpu.memref_slice %arg5[%mul3A_20] : memref<16384xf32, #tpu.memory_space<hbm>> -> memref<4096xf32, #tpu.memory_space<hbm>>
      %dma_wait3A_35 = tpu.memref_slice %arg5[%mul3A_20] : memref<16384xf32, #tpu.memory_space<hbm>> -> memref<4096xf32, #tpu.memory_space<hbm>>
      tpu.wait_dma2 semaphore(%run_scoped3A : memref<!tpu.dma_semaphore, #tpu.memory_space<semaphore_mem>>) src(%dma_wait3A_35 : memref<4096xf32, #tpu.memory_space<hbm>>) dst(%arg12 : memref<4096xf32, #tpu.memory_space<vmem>>)
      tpu.yield
    }) : () -> ()
    "tpu.region"() ({
      %run_scoped3A = tpu.sem_alloc : memref<!tpu.dma_semaphore, #tpu.memory_space<semaphore_mem>>
      %dma_start3A = tpu.memref_slice %arg6[%mul3A_20] : memref<16384xf32, #tpu.memory_space<hbm>> -> memref<4096xf32, #tpu.memory_space<hbm>>
      %dma_start3A_34 = tpu.memref_slice %arg6[%mul3A_20] : memref<16384xf32, #tpu.memory_space<hbm>> -> memref<4096xf32, #tpu.memory_space<hbm>>
      tpu.enqueue_dma source(%dma_start3A_34 : memref<4096xf32, #tpu.memory_space<hbm>>) target(%arg13 : memref<4096xf32, #tpu.memory_space<vmem>>) target_semaphore(%run_scoped3A : memref<!tpu.dma_semaphore, #tpu.memory_space<semaphore_mem>>)
      %dma_wait3A = tpu.memref_slice %arg6[%mul3A_20] : memref<16384xf32, #tpu.memory_space<hbm>> -> memref<4096xf32, #tpu.memory_space<hbm>>
      %dma_wait3A_35 = tpu.memref_slice %arg6[%mul3A_20] : memref<16384xf32, #tpu.memory_space<hbm>> -> memref<4096xf32, #tpu.memory_space<hbm>>
      tpu.wait_dma2 semaphore(%run_scoped3A : memref<!tpu.dma_semaphore, #tpu.memory_space<semaphore_mem>>) src(%dma_wait3A_35 : memref<4096xf32, #tpu.memory_space<hbm>>) dst(%arg13 : memref<4096xf32, #tpu.memory_space<vmem>>)
      tpu.yield
    }) : () -> ()
    "tpu.region"() ({
      %run_scoped3A = tpu.sem_alloc : memref<!tpu.dma_semaphore, #tpu.memory_space<semaphore_mem>>
      %dma_start3A = tpu.memref_slice %arg7[%mul3A_20] : memref<16384xf32, #tpu.memory_space<hbm>> -> memref<4096xf32, #tpu.memory_space<hbm>>
      %dma_start3A_34 = tpu.memref_slice %arg7[%mul3A_20] : memref<16384xf32, #tpu.memory_space<hbm>> -> memref<4096xf32, #tpu.memory_space<hbm>>
      tpu.enqueue_dma source(%dma_start3A_34 : memref<4096xf32, #tpu.memory_space<hbm>>) target(%arg14 : memref<4096xf32, #tpu.memory_space<vmem>>) target_semaphore(%run_scoped3A : memref<!tpu.dma_semaphore, #tpu.memory_space<semaphore_mem>>)
      %dma_wait3A = tpu.memref_slice %arg7[%mul3A_20] : memref<16384xf32, #tpu.memory_space<hbm>> -> memref<4096xf32, #tpu.memory_space<hbm>>
      %dma_wait3A_35 = tpu.memref_slice %arg7[%mul3A_20] : memref<16384xf32, #tpu.memory_space<hbm>> -> memref<4096xf32, #tpu.memory_space<hbm>>
      tpu.wait_dma2 semaphore(%run_scoped3A : memref<!tpu.dma_semaphore, #tpu.memory_space<semaphore_mem>>) src(%dma_wait3A_35 : memref<4096xf32, #tpu.memory_space<hbm>>) dst(%arg14 : memref<4096xf32, #tpu.memory_space<vmem>>)
      tpu.yield
    }) : () -> ()
    "tpu.region"() ({
      %run_scoped3A = tpu.sem_alloc : memref<!tpu.dma_semaphore, #tpu.memory_space<semaphore_mem>>
      %dma_start3A = tpu.memref_slice %arg2[%mul3A_18] : memref<16384xf32, #tpu.memory_space<hbm>> -> memref<512xf32, #tpu.memory_space<hbm>>
      %dma_start3A_34 = tpu.memref_slice %arg2[%mul3A_18] : memref<16384xf32, #tpu.memory_space<hbm>> -> memref<512xf32, #tpu.memory_space<hbm>>
      tpu.enqueue_dma source(%dma_start3A_34 : memref<512xf32, #tpu.memory_space<hbm>>) target(%arg9 : memref<512xf32, #tpu.memory_space<vmem>>) target_semaphore(%run_scoped3A : memref<!tpu.dma_semaphore, #tpu.memory_space<semaphore_mem>>)
      %dma_wait3A = tpu.memref_slice %arg2[%mul3A_18] : memref<16384xf32, #tpu.memory_space<hbm>> -> memref<512xf32, #tpu.memory_space<hbm>>
      %dma_wait3A_35 = tpu.memref_slice %arg2[%mul3A_18] : memref<16384xf32, #tpu.memory_space<hbm>> -> memref<512xf32, #tpu.memory_space<hbm>>
      tpu.wait_dma2 semaphore(%run_scoped3A : memref<!tpu.dma_semaphore, #tpu.memory_space<semaphore_mem>>) src(%dma_wait3A_35 : memref<512xf32, #tpu.memory_space<hbm>>) dst(%arg9 : memref<512xf32, #tpu.memory_space<vmem>>)
      tpu.yield
    }) : () -> ()
    "tpu.region"() ({
      %run_scoped3A = tpu.sem_alloc : memref<!tpu.dma_semaphore, #tpu.memory_space<semaphore_mem>>
      %dma_start3A = tpu.memref_slice %arg3[%mul3A_18] : memref<16384xf32, #tpu.memory_space<hbm>> -> memref<512xf32, #tpu.memory_space<hbm>>
      %dma_start3A_34 = tpu.memref_slice %arg3[%mul3A_18] : memref<16384xf32, #tpu.memory_space<hbm>> -> memref<512xf32, #tpu.memory_space<hbm>>
      tpu.enqueue_dma source(%dma_start3A_34 : memref<512xf32, #tpu.memory_space<hbm>>) target(%arg10 : memref<512xf32, #tpu.memory_space<vmem>>) target_semaphore(%run_scoped3A : memref<!tpu.dma_semaphore, #tpu.memory_space<semaphore_mem>>)
      %dma_wait3A = tpu.memref_slice %arg3[%mul3A_18] : memref<16384xf32, #tpu.memory_space<hbm>> -> memref<512xf32, #tpu.memory_space<hbm>>
      %dma_wait3A_35 = tpu.memref_slice %arg3[%mul3A_18] : memref<16384xf32, #tpu.memory_space<hbm>> -> memref<512xf32, #tpu.memory_space<hbm>>
      tpu.wait_dma2 semaphore(%run_scoped3A : memref<!tpu.dma_semaphore, #tpu.memory_space<semaphore_mem>>) src(%dma_wait3A_35 : memref<512xf32, #tpu.memory_space<hbm>>) dst(%arg10 : memref<512xf32, #tpu.memory_space<vmem>>)
      tpu.yield
    }) : () -> ()
    "tpu.region"() ({
      %run_scoped3A = tpu.sem_alloc : memref<!tpu.dma_semaphore, #tpu.memory_space<semaphore_mem>>
      %dma_start3A = tpu.memref_slice %arg4[%mul3A_18] : memref<16384xf32, #tpu.memory_space<hbm>> -> memref<512xf32, #tpu.memory_space<hbm>>
      %dma_start3A_34 = tpu.memref_slice %arg4[%mul3A_18] : memref<16384xf32, #tpu.memory_space<hbm>> -> memref<512xf32, #tpu.memory_space<hbm>>
      tpu.enqueue_dma source(%dma_start3A_34 : memref<512xf32, #tpu.memory_space<hbm>>) target(%arg11 : memref<512xf32, #tpu.memory_space<vmem>>) target_semaphore(%run_scoped3A : memref<!tpu.dma_semaphore, #tpu.memory_space<semaphore_mem>>)
      %dma_wait3A = tpu.memref_slice %arg4[%mul3A_18] : memref<16384xf32, #tpu.memory_space<hbm>> -> memref<512xf32, #tpu.memory_space<hbm>>
      %dma_wait3A_35 = tpu.memref_slice %arg4[%mul3A_18] : memref<16384xf32, #tpu.memory_space<hbm>> -> memref<512xf32, #tpu.memory_space<hbm>>
      tpu.wait_dma2 semaphore(%run_scoped3A : memref<!tpu.dma_semaphore, #tpu.memory_space<semaphore_mem>>) src(%dma_wait3A_35 : memref<512xf32, #tpu.memory_space<hbm>>) dst(%arg11 : memref<512xf32, #tpu.memory_space<vmem>>)
      tpu.yield
    }) : () -> ()
    %scan3A = arith.constant 0 : i32
    %scan3A_21 = arith.constant 0 : i32
    %scan3A_22 = arith.constant 256 : i32
    %scan3A_23 = arith.addi %scan3A_21, %scan3A_22 : i32
    %scan3A_24 = arith.constant 1 : i32
    %scan3A_25 = scf.for %scan3A_34 = %scan3A_21 to %scan3A_23 step %scan3A_24 iter_args(%scan3A_35 = %scan3A) -> (i32)  : i32 {
      %mul3A_36 = arith.constant 16 : i32
      %mul3A_37 = arith.muli %scan3A_34, %mul3A_36 : i32
      %multiple_of3A = tpu.assume_multiple %mul3A_37, 16 : i32
      %get3A = arith.index_cast %multiple_of3A : i32 to index
      %get3A_38 = tpu.vector_load %arg12[%get3A] {strides = array<i32>} : memref<4096xf32, #tpu.memory_space<vmem>>, vector<16xf32>,
      %get3A_39 = arith.index_cast %multiple_of3A : i32 to index
      %get3A_40 = tpu.vector_load %arg13[%get3A_39] {strides = array<i32>} : memref<4096xf32, #tpu.memory_space<vmem>>, vector<16xf32>,
      %get3A_41 = arith.index_cast %multiple_of3A : i32 to index
      %get3A_42 = tpu.vector_load %arg14[%get3A_41] {strides = array<i32>} : memref<4096xf32, #tpu.memory_space<vmem>>, vector<16xf32>,
      %mul3A_43 = arith.mulf %get3A_38, %get3A_38 : vector<16xf32>
      %mul3A_44 = arith.mulf %get3A_40, %get3A_40 : vector<16xf32>
      %add3A_45 = arith.addf %mul3A_43, %mul3A_44 : vector<16xf32>
      %mul3A_46 = arith.mulf %get3A_42, %get3A_42 : vector<16xf32>
      %add3A_47 = arith.addf %add3A_45, %mul3A_46 : vector<16xf32>
      %swap3A = arith.index_cast %multiple_of3A : i32 to index
      %swap3A_48 = tpu.vector_load %arg15[%swap3A] {strides = array<i32>} : memref<4096xf32, #tpu.memory_space<vmem>>, vector<16xf32>,
      tpu.vector_store %arg15[%swap3A], %add3A_47 {strides = array<i32>} : memref<4096xf32, #tpu.memory_space<vmem>>, vector<16xf32>,
      %scan3A_49 = arith.constant 0 : i32
      scf.yield %scan3A_49 : i32
    }
    %scan3A_26 = arith.constant 256 : i32
    %scan3A_27 = arith.constant 0 : i32
    %scan3A_28 = arith.constant 0 : i32
    %scan3A_29 = arith.constant 32 : i32
    %scan3A_30 = arith.addi %scan3A_28, %scan3A_29 : i32
    %scan3A_31 = arith.constant 1 : i32
    %scan3A_32 = scf.for %scan3A_34 = %scan3A_28 to %scan3A_30 step %scan3A_31 iter_args(%scan3A_35 = %scan3A_27) -> (i32)  : i32 {
      %mul3A_36 = arith.constant 16 : i32
      %mul3A_37 = arith.muli %scan3A_34, %mul3A_36 : i32
      %multiple_of3A = tpu.assume_multiple %mul3A_37, 16 : i32
      %get3A = arith.index_cast %multiple_of3A : i32 to index
      %get3A_38 = tpu.vector_load %arg9[%get3A] {strides = array<i32>} : memref<512xf32, #tpu.memory_space<vmem>>, vector<16xf32>,
      %get3A_39 = arith.index_cast %multiple_of3A : i32 to index
      %get3A_40 = tpu.vector_load %arg10[%get3A_39] {strides = array<i32>} : memref<512xf32, #tpu.memory_space<vmem>>, vector<16xf32>,
      %get3A_41 = arith.index_cast %multiple_of3A : i32 to index
      %get3A_42 = tpu.vector_load %arg11[%get3A_41] {strides = array<i32>} : memref<512xf32, #tpu.memory_space<vmem>>, vector<16xf32>,
      %slice3A = vector.extract_strided_slice %get3A_38 {offsets = [0], sizes = [1], strides = [1]} : vector<16xf32> to vector<1xf32>
      %squeeze3A = vector.extract %slice3A[0] : f32 from vector<1xf32>
      %slice3A_43 = vector.extract_strided_slice %get3A_40 {offsets = [0], sizes = [1], strides = [1]} : vector<16xf32> to vector<1xf32>
      %squeeze3A_44 = vector.extract %slice3A_43[0] : f32 from vector<1xf32>
      %slice3A_45 = vector.extract_strided_slice %get3A_42 {offsets = [0], sizes = [1], strides = [1]} : vector<16xf32> to vector<1xf32>
      %squeeze3A_46 = vector.extract %slice3A_45[0] : f32 from vector<1xf32>
      %mul3A_47 = arith.constant 2.000000e+00 : f32
      %mul3A_48 = arith.mulf %squeeze3A, %mul3A_47 : f32
      %broadcast_in_dim3A = vector.broadcast %mul3A_48 : f32 to vector<16xf32>
      %mul3A_49 = arith.constant 2.000000e+00 : f32
      %mul3A_50 = arith.mulf %squeeze3A_44, %mul3A_49 : f32
      %broadcast_in_dim3A_51 = vector.broadcast %mul3A_50 : f32 to vector<16xf32>
      %mul3A_52 = arith.constant 2.000000e+00 : f32
      %mul3A_53 = arith.mulf %squeeze3A_46, %mul3A_52 : f32
      %broadcast_in_dim3A_54 = vector.broadcast %mul3A_53 : f32 to vector<16xf32>
      %mul3A_55 = arith.mulf %squeeze3A, %squeeze3A : f32
      %mul3A_56 = arith.mulf %squeeze3A_44, %squeeze3A_44 : f32
      %add3A_57 = arith.addf %mul3A_55, %mul3A_56 : f32
      %mul3A_58 = arith.mulf %squeeze3A_46, %squeeze3A_46 : f32
      %add3A_59 = arith.addf %add3A_57, %mul3A_58 : f32
      %slice3A_60 = vector.extract_strided_slice %get3A_38 {offsets = [1], sizes = [1], strides = [1]} : vector<16xf32> to vector<1xf32>
      %squeeze3A_61 = vector.extract %slice3A_60[0] : f32 from vector<1xf32>
      %slice3A_62 = vector.extract_strided_slice %get3A_40 {offsets = [1], sizes = [1], strides = [1]} : vector<16xf32> to vector<1xf32>
      %squeeze3A_63 = vector.extract %slice3A_62[0] : f32 from vector<1xf32>
      %slice3A_64 = vector.extract_strided_slice %get3A_42 {offsets = [1], sizes = [1], strides = [1]} : vector<16xf32> to vector<1xf32>
      %squeeze3A_65 = vector.extract %slice3A_64[0] : f32 from vector<1xf32>
      %mul3A_66 = arith.constant 2.000000e+00 : f32
      %mul3A_67 = arith.mulf %squeeze3A_61, %mul3A_66 : f32
      %broadcast_in_dim3A_68 = vector.broadcast %mul3A_67 : f32 to vector<16xf32>
      %mul3A_69 = arith.constant 2.000000e+00 : f32
      %mul3A_70 = arith.mulf %squeeze3A_63, %mul3A_69 : f32
      %broadcast_in_dim3A_71 = vector.broadcast %mul3A_70 : f32 to vector<16xf32>
      %mul3A_72 = arith.constant 2.000000e+00 : f32
      %mul3A_73 = arith.mulf %squeeze3A_65, %mul3A_72 : f32
      %broadcast_in_dim3A_74 = vector.broadcast %mul3A_73 : f32 to vector<16xf32>
      %mul3A_75 = arith.mulf %squeeze3A_61, %squeeze3A_61 : f32
      %mul3A_76 = arith.mulf %squeeze3A_63, %squeeze3A_63 : f32
      %add3A_77 = arith.addf %mul3A_75, %mul3A_76 : f32
      %mul3A_78 = arith.mulf %squeeze3A_65, %squeeze3A_65 : f32
      %add3A_79 = arith.addf %add3A_77, %mul3A_78 : f32
      %slice3A_80 = vector.extract_strided_slice %get3A_38 {offsets = [2], sizes = [1], strides = [1]} : vector<16xf32> to vector<1xf32>
      %squeeze3A_81 = vector.extract %slice3A_80[0] : f32 from vector<1xf32>
      %slice3A_82 = vector.extract_strided_slice %get3A_40 {offsets = [2], sizes = [1], strides = [1]} : vector<16xf32> to vector<1xf32>
      %squeeze3A_83 = vector.extract %slice3A_82[0] : f32 from vector<1xf32>
      %slice3A_84 = vector.extract_strided_slice %get3A_42 {offsets = [2], sizes = [1], strides = [1]} : vector<16xf32> to vector<1xf32>
      %squeeze3A_85 = vector.extract %slice3A_84[0] : f32 from vector<1xf32>
      %mul3A_86 = arith.constant 2.000000e+00 : f32
      %mul3A_87 = arith.mulf %squeeze3A_81, %mul3A_86 : f32
      %broadcast_in_dim3A_88 = vector.broadcast %mul3A_87 : f32 to vector<16xf32>
      %mul3A_89 = arith.constant 2.000000e+00 : f32
      %mul3A_90 = arith.mulf %squeeze3A_83, %mul3A_89 : f32
      %broadcast_in_dim3A_91 = vector.broadcast %mul3A_90 : f32 to vector<16xf32>
      %mul3A_92 = arith.constant 2.000000e+00 : f32
      %mul3A_93 = arith.mulf %squeeze3A_85, %mul3A_92 : f32
      %broadcast_in_dim3A_94 = vector.broadcast %mul3A_93 : f32 to vector<16xf32>
      %mul3A_95 = arith.mulf %squeeze3A_81, %squeeze3A_81 : f32
      %mul3A_96 = arith.mulf %squeeze3A_83, %squeeze3A_83 : f32
      %add3A_97 = arith.addf %mul3A_95, %mul3A_96 : f32
      %mul3A_98 = arith.mulf %squeeze3A_85, %squeeze3A_85 : f32
      %add3A_99 = arith.addf %add3A_97, %mul3A_98 : f32
      %slice3A_100 = vector.extract_strided_slice %get3A_38 {offsets = [3], sizes = [1], strides = [1]} : vector<16xf32> to vector<1xf32>
      %squeeze3A_101 = vector.extract %slice3A_100[0] : f32 from vector<1xf32>
      %slice3A_102 = vector.extract_strided_slice %get3A_40 {offsets = [3], sizes = [1], strides = [1]} : vector<16xf32> to vector<1xf32>
      %squeeze3A_103 = vector.extract %slice3A_102[0] : f32 from vector<1xf32>
      %slice3A_104 = vector.extract_strided_slice %get3A_42 {offsets = [3], sizes = [1], strides = [1]} : vector<16xf32> to vector<1xf32>
      %squeeze3A_105 = vector.extract %slice3A_104[0] : f32 from vector<1xf32>
      %mul3A_106 = arith.constant 2.000000e+00 : f32
      %mul3A_107 = arith.mulf %squeeze3A_101, %mul3A_106 : f32
      %broadcast_in_dim3A_108 = vector.broadcast %mul3A_107 : f32 to vector<16xf32>
      %mul3A_109 = arith.constant 2.000000e+00 : f32
      %mul3A_110 = arith.mulf %squeeze3A_103, %mul3A_109 : f32
      %broadcast_in_dim3A_111 = vector.broadcast %mul3A_110 : f32 to vector<16xf32>
      %mul3A_112 = arith.constant 2.000000e+00 : f32
      %mul3A_113 = arith.mulf %squeeze3A_105, %mul3A_112 : f32
      %broadcast_in_dim3A_114 = vector.broadcast %mul3A_113 : f32 to vector<16xf32>
      %mul3A_115 = arith.mulf %squeeze3A_101, %squeeze3A_101 : f32
      %mul3A_116 = arith.mulf %squeeze3A_103, %squeeze3A_103 : f32
      %add3A_117 = arith.addf %mul3A_115, %mul3A_116 : f32
      %mul3A_118 = arith.mulf %squeeze3A_105, %squeeze3A_105 : f32
      %add3A_119 = arith.addf %add3A_117, %mul3A_118 : f32
      %slice3A_120 = vector.extract_strided_slice %get3A_38 {offsets = [4], sizes = [1], strides = [1]} : vector<16xf32> to vector<1xf32>
      %squeeze3A_121 = vector.extract %slice3A_120[0] : f32 from vector<1xf32>
      %slice3A_122 = vector.extract_strided_slice %get3A_40 {offsets = [4], sizes = [1], strides = [1]} : vector<16xf32> to vector<1xf32>
      %squeeze3A_123 = vector.extract %slice3A_122[0] : f32 from vector<1xf32>
      %slice3A_124 = vector.extract_strided_slice %get3A_42 {offsets = [4], sizes = [1], strides = [1]} : vector<16xf32> to vector<1xf32>
      %squeeze3A_125 = vector.extract %slice3A_124[0] : f32 from vector<1xf32>
      %mul3A_126 = arith.constant 2.000000e+00 : f32
      %mul3A_127 = arith.mulf %squeeze3A_121, %mul3A_126 : f32
      %broadcast_in_dim3A_128 = vector.broadcast %mul3A_127 : f32 to vector<16xf32>
      %mul3A_129 = arith.constant 2.000000e+00 : f32
      %mul3A_130 = arith.mulf %squeeze3A_123, %mul3A_129 : f32
      %broadcast_in_dim3A_131 = vector.broadcast %mul3A_130 : f32 to vector<16xf32>
      %mul3A_132 = arith.constant 2.000000e+00 : f32
      %mul3A_133 = arith.mulf %squeeze3A_125, %mul3A_132 : f32
      %broadcast_in_dim3A_134 = vector.broadcast %mul3A_133 : f32 to vector<16xf32>
      %mul3A_135 = arith.mulf %squeeze3A_121, %squeeze3A_121 : f32
      %mul3A_136 = arith.mulf %squeeze3A_123, %squeeze3A_123 : f32
      %add3A_137 = arith.addf %mul3A_135, %mul3A_136 : f32
      %mul3A_138 = arith.mulf %squeeze3A_125, %squeeze3A_125 : f32
      %add3A_139 = arith.addf %add3A_137, %mul3A_138 : f32
      %slice3A_140 = vector.extract_strided_slice %get3A_38 {offsets = [5], sizes = [1], strides = [1]} : vector<16xf32> to vector<1xf32>
      %squeeze3A_141 = vector.extract %slice3A_140[0] : f32 from vector<1xf32>
      %slice3A_142 = vector.extract_strided_slice %get3A_40 {offsets = [5], sizes = [1], strides = [1]} : vector<16xf32> to vector<1xf32>
      %squeeze3A_143 = vector.extract %slice3A_142[0] : f32 from vector<1xf32>
      %slice3A_144 = vector.extract_strided_slice %get3A_42 {offsets = [5], sizes = [1], strides = [1]} : vector<16xf32> to vector<1xf32>
      %squeeze3A_145 = vector.extract %slice3A_144[0] : f32 from vector<1xf32>
      %mul3A_146 = arith.constant 2.000000e+00 : f32
      %mul3A_147 = arith.mulf %squeeze3A_141, %mul3A_146 : f32
      %broadcast_in_dim3A_148 = vector.broadcast %mul3A_147 : f32 to vector<16xf32>
      %mul3A_149 = arith.constant 2.000000e+00 : f32
      %mul3A_150 = arith.mulf %squeeze3A_143, %mul3A_149 : f32
      %broadcast_in_dim3A_151 = vector.broadcast %mul3A_150 : f32 to vector<16xf32>
      %mul3A_152 = arith.constant 2.000000e+00 : f32
      %mul3A_153 = arith.mulf %squeeze3A_145, %mul3A_152 : f32
      %broadcast_in_dim3A_154 = vector.broadcast %mul3A_153 : f32 to vector<16xf32>
      %mul3A_155 = arith.mulf %squeeze3A_141, %squeeze3A_141 : f32
      %mul3A_156 = arith.mulf %squeeze3A_143, %squeeze3A_143 : f32
      %add3A_157 = arith.addf %mul3A_155, %mul3A_156 : f32
      %mul3A_158 = arith.mulf %squeeze3A_145, %squeeze3A_145 : f32
      %add3A_159 = arith.addf %add3A_157, %mul3A_158 : f32
      %slice3A_160 = vector.extract_strided_slice %get3A_38 {offsets = [6], sizes = [1], strides = [1]} : vector<16xf32> to vector<1xf32>
      %squeeze3A_161 = vector.extract %slice3A_160[0] : f32 from vector<1xf32>
      %slice3A_162 = vector.extract_strided_slice %get3A_40 {offsets = [6], sizes = [1], strides = [1]} : vector<16xf32> to vector<1xf32>
      %squeeze3A_163 = vector.extract %slice3A_162[0] : f32 from vector<1xf32>
      %slice3A_164 = vector.extract_strided_slice %get3A_42 {offsets = [6], sizes = [1], strides = [1]} : vector<16xf32> to vector<1xf32>
      %squeeze3A_165 = vector.extract %slice3A_164[0] : f32 from vector<1xf32>
      %mul3A_166 = arith.constant 2.000000e+00 : f32
      %mul3A_167 = arith.mulf %squeeze3A_161, %mul3A_166 : f32
      %broadcast_in_dim3A_168 = vector.broadcast %mul3A_167 : f32 to vector<16xf32>
      %mul3A_169 = arith.constant 2.000000e+00 : f32
      %mul3A_170 = arith.mulf %squeeze3A_163, %mul3A_169 : f32
      %broadcast_in_dim3A_171 = vector.broadcast %mul3A_170 : f32 to vector<16xf32>
      %mul3A_172 = arith.constant 2.000000e+00 : f32
      %mul3A_173 = arith.mulf %squeeze3A_165, %mul3A_172 : f32
      %broadcast_in_dim3A_174 = vector.broadcast %mul3A_173 : f32 to vector<16xf32>
      %mul3A_175 = arith.mulf %squeeze3A_161, %squeeze3A_161 : f32
      %mul3A_176 = arith.mulf %squeeze3A_163, %squeeze3A_163 : f32
      %add3A_177 = arith.addf %mul3A_175, %mul3A_176 : f32
      %mul3A_178 = arith.mulf %squeeze3A_165, %squeeze3A_165 : f32
      %add3A_179 = arith.addf %add3A_177, %mul3A_178 : f32
      %slice3A_180 = vector.extract_strided_slice %get3A_38 {offsets = [7], sizes = [1], strides = [1]} : vector<16xf32> to vector<1xf32>
      %squeeze3A_181 = vector.extract %slice3A_180[0] : f32 from vector<1xf32>
      %slice3A_182 = vector.extract_strided_slice %get3A_40 {offsets = [7], sizes = [1], strides = [1]} : vector<16xf32> to vector<1xf32>
      %squeeze3A_183 = vector.extract %slice3A_182[0] : f32 from vector<1xf32>
      %slice3A_184 = vector.extract_strided_slice %get3A_42 {offsets = [7], sizes = [1], strides = [1]} : vector<16xf32> to vector<1xf32>
      %squeeze3A_185 = vector.extract %slice3A_184[0] : f32 from vector<1xf32>
      %mul3A_186 = arith.constant 2.000000e+00 : f32
      %mul3A_187 = arith.mulf %squeeze3A_181, %mul3A_186 : f32
      %broadcast_in_dim3A_188 = vector.broadcast %mul3A_187 : f32 to vector<16xf32>
      %mul3A_189 = arith.constant 2.000000e+00 : f32
      %mul3A_190 = arith.mulf %squeeze3A_183, %mul3A_189 : f32
      %broadcast_in_dim3A_191 = vector.broadcast %mul3A_190 : f32 to vector<16xf32>
      %mul3A_192 = arith.constant 2.000000e+00 : f32
      %mul3A_193 = arith.mulf %squeeze3A_185, %mul3A_192 : f32
      %broadcast_in_dim3A_194 = vector.broadcast %mul3A_193 : f32 to vector<16xf32>
      %mul3A_195 = arith.mulf %squeeze3A_181, %squeeze3A_181 : f32
      %mul3A_196 = arith.mulf %squeeze3A_183, %squeeze3A_183 : f32
      %add3A_197 = arith.addf %mul3A_195, %mul3A_196 : f32
      %mul3A_198 = arith.mulf %squeeze3A_185, %squeeze3A_185 : f32
      %add3A_199 = arith.addf %add3A_197, %mul3A_198 : f32
      %broadcast_in_dim3A_200 = arith.constant 0x7F800000 : f32
      %broadcast_in_dim3A_201 = vector.broadcast %broadcast_in_dim3A_200 : f32 to vector<16xf32>
      %broadcast_in_dim3A_202 = arith.constant 0x7F800000 : f32
      %broadcast_in_dim3A_203 = vector.broadcast %broadcast_in_dim3A_202 : f32 to vector<16xf32>
      %broadcast_in_dim3A_204 = arith.constant 0x7F800000 : f32
      %broadcast_in_dim3A_205 = vector.broadcast %broadcast_in_dim3A_204 : f32 to vector<16xf32>
      %broadcast_in_dim3A_206 = arith.constant 0x7F800000 : f32
      %broadcast_in_dim3A_207 = vector.broadcast %broadcast_in_dim3A_206 : f32 to vector<16xf32>
      %broadcast_in_dim3A_208 = arith.constant 0x7F800000 : f32
      %broadcast_in_dim3A_209 = vector.broadcast %broadcast_in_dim3A_208 : f32 to vector<16xf32>
      %broadcast_in_dim3A_210 = arith.constant 0x7F800000 : f32
      %broadcast_in_dim3A_211 = vector.broadcast %broadcast_in_dim3A_210 : f32 to vector<16xf32>
      %broadcast_in_dim3A_212 = arith.constant 0x7F800000 : f32
      %broadcast_in_dim3A_213 = vector.broadcast %broadcast_in_dim3A_212 : f32 to vector<16xf32>
      %broadcast_in_dim3A_214 = arith.constant 0x7F800000 : f32
      %broadcast_in_dim3A_215 = vector.broadcast %broadcast_in_dim3A_214 : f32 to vector<16xf32>
      %scan3A_216 = arith.constant 0 : i32
      %scan3A_217 = arith.constant 256 : i32
      %scan3A_218 = arith.addi %scan3A_216, %scan3A_217 : i32
      %scan3A_219 = arith.constant 1 : i32
      %scan3A_220:8 = scf.for %scan3A_580 = %scan3A_216 to %scan3A_218 step %scan3A_219 iter_args(%scan3A_581 = %broadcast_in_dim3A_201, %scan3A_582 = %broadcast_in_dim3A_203, %scan3A_583 = %broadcast_in_dim3A_205, %scan3A_584 = %broadcast_in_dim3A_207, %scan3A_585 = %broadcast_in_dim3A_209, %scan3A_586 = %broadcast_in_dim3A_211, %scan3A_587 = %broadcast_in_dim3A_213, %scan3A_588 = %broadcast_in_dim3A_215) -> (vector<16xf32>, vector<16xf32>, vector<16xf32>, vector<16xf32>, vector<16xf32>, vector<16xf32>, vector<16xf32>, vector<16xf32>)  : i32 {
        %mul3A_589 = arith.constant 16 : i32
        %mul3A_590 = arith.muli %scan3A_580, %mul3A_589 : i32
        %multiple_of3A_591 = tpu.assume_multiple %mul3A_590, 16 : i32
        %get3A_592 = arith.index_cast %multiple_of3A_591 : i32 to index
        %get3A_593 = tpu.vector_load %arg12[%get3A_592] {strides = array<i32>} : memref<4096xf32, #tpu.memory_space<vmem>>, vector<16xf32>,
        %get3A_594 = arith.index_cast %multiple_of3A_591 : i32 to index
        %get3A_595 = tpu.vector_load %arg13[%get3A_594] {strides = array<i32>} : memref<4096xf32, #tpu.memory_space<vmem>>, vector<16xf32>,
        %get3A_596 = arith.index_cast %multiple_of3A_591 : i32 to index
        %get3A_597 = tpu.vector_load %arg14[%get3A_596] {strides = array<i32>} : memref<4096xf32, #tpu.memory_space<vmem>>, vector<16xf32>,
        %get3A_598 = arith.index_cast %multiple_of3A_591 : i32 to index
        %get3A_599 = tpu.vector_load %arg15[%get3A_598] {strides = array<i32>} : memref<4096xf32, #tpu.memory_space<vmem>>, vector<16xf32>,
        %mul3A_600 = arith.mulf %get3A_593, %broadcast_in_dim3A : vector<16xf32>
        %mul3A_601 = arith.mulf %get3A_595, %broadcast_in_dim3A_51 : vector<16xf32>
        %add3A_602 = arith.addf %mul3A_600, %mul3A_601 : vector<16xf32>
        %mul3A_603 = arith.mulf %get3A_597, %broadcast_in_dim3A_54 : vector<16xf32>
        %add3A_604 = arith.addf %add3A_602, %mul3A_603 : vector<16xf32>
        %sub3A_605 = arith.subf %get3A_599, %add3A_604 : vector<16xf32>
        %masked_sort3A = arith.constant dense<true> : vector<16xi1>
        %masked_sort3A_606, %masked_sort3A_607, %masked_sort3A_608 = tpu.sort %sub3A_605, %sub3A_605 masked %masked_sort3A {descending = true} : (vector<16xf32>, vector<16xf32>, vector<16xi1>) -> (vector<16xi1>, vector<16xf32>, vector<16xf32>)
        %min3A = arith.minimumf %scan3A_581, %masked_sort3A_607 : vector<16xf32>
        %masked_sort3A_609 = arith.constant dense<true> : vector<16xi1>
        %masked_sort3A_610, %masked_sort3A_611, %masked_sort3A_612 = tpu.sort %min3A, %min3A masked %masked_sort3A_609 : (vector<16xf32>, vector<16xf32>, vector<16xi1>) -> (vector<16xi1>, vector<16xf32>, vector<16xf32>)
        %mul3A_613 = arith.mulf %get3A_593, %broadcast_in_dim3A_68 : vector<16xf32>
        %mul3A_614 = arith.mulf %get3A_595, %broadcast_in_dim3A_71 : vector<16xf32>
        %add3A_615 = arith.addf %mul3A_613, %mul3A_614 : vector<16xf32>
        %mul3A_616 = arith.mulf %get3A_597, %broadcast_in_dim3A_74 : vector<16xf32>
        %add3A_617 = arith.addf %add3A_615, %mul3A_616 : vector<16xf32>
        %sub3A_618 = arith.subf %get3A_599, %add3A_617 : vector<16xf32>
        %masked_sort3A_619 = arith.constant dense<true> : vector<16xi1>
        %masked_sort3A_620, %masked_sort3A_621, %masked_sort3A_622 = tpu.sort %sub3A_618, %sub3A_618 masked %masked_sort3A_619 {descending = true} : (vector<16xf32>, vector<16xf32>, vector<16xi1>) -> (vector<16xi1>, vector<16xf32>, vector<16xf32>)
        %min3A_623 = arith.minimumf %scan3A_582, %masked_sort3A_621 : vector<16xf32>
        %masked_sort3A_624 = arith.constant dense<true> : vector<16xi1>
        %masked_sort3A_625, %masked_sort3A_626, %masked_sort3A_627 = tpu.sort %min3A_623, %min3A_623 masked %masked_sort3A_624 : (vector<16xf32>, vector<16xf32>, vector<16xi1>) -> (vector<16xi1>, vector<16xf32>, vector<16xf32>)
        %mul3A_628 = arith.mulf %get3A_593, %broadcast_in_dim3A_88 : vector<16xf32>
        %mul3A_629 = arith.mulf %get3A_595, %broadcast_in_dim3A_91 : vector<16xf32>
        %add3A_630 = arith.addf %mul3A_628, %mul3A_629 : vector<16xf32>
        %mul3A_631 = arith.mulf %get3A_597, %broadcast_in_dim3A_94 : vector<16xf32>
        %add3A_632 = arith.addf %add3A_630, %mul3A_631 : vector<16xf32>
        %sub3A_633 = arith.subf %get3A_599, %add3A_632 : vector<16xf32>
        %masked_sort3A_634 = arith.constant dense<true> : vector<16xi1>
        %masked_sort3A_635, %masked_sort3A_636, %masked_sort3A_637 = tpu.sort %sub3A_633, %sub3A_633 masked %masked_sort3A_634 {descending = true} : (vector<16xf32>, vector<16xf32>, vector<16xi1>) -> (vector<16xi1>, vector<16xf32>, vector<16xf32>)
        %min3A_638 = arith.minimumf %scan3A_583, %masked_sort3A_636 : vector<16xf32>
        %masked_sort3A_639 = arith.constant dense<true> : vector<16xi1>
        %masked_sort3A_640, %masked_sort3A_641, %masked_sort3A_642 = tpu.sort %min3A_638, %min3A_638 masked %masked_sort3A_639 : (vector<16xf32>, vector<16xf32>, vector<16xi1>) -> (vector<16xi1>, vector<16xf32>, vector<16xf32>)
        %mul3A_643 = arith.mulf %get3A_593, %broadcast_in_dim3A_108 : vector<16xf32>
        %mul3A_644 = arith.mulf %get3A_595, %broadcast_in_dim3A_111 : vector<16xf32>
        %add3A_645 = arith.addf %mul3A_643, %mul3A_644 : vector<16xf32>
        %mul3A_646 = arith.mulf %get3A_597, %broadcast_in_dim3A_114 : vector<16xf32>
        %add3A_647 = arith.addf %add3A_645, %mul3A_646 : vector<16xf32>
        %sub3A_648 = arith.subf %get3A_599, %add3A_647 : vector<16xf32>
        %masked_sort3A_649 = arith.constant dense<true> : vector<16xi1>
        %masked_sort3A_650, %masked_sort3A_651, %masked_sort3A_652 = tpu.sort %sub3A_648, %sub3A_648 masked %masked_sort3A_649 {descending = true} : (vector<16xf32>, vector<16xf32>, vector<16xi1>) -> (vector<16xi1>, vector<16xf32>, vector<16xf32>)
        %min3A_653 = arith.minimumf %scan3A_584, %masked_sort3A_651 : vector<16xf32>
        %masked_sort3A_654 = arith.constant dense<true> : vector<16xi1>
        %masked_sort3A_655, %masked_sort3A_656, %masked_sort3A_657 = tpu.sort %min3A_653, %min3A_653 masked %masked_sort3A_654 : (vector<16xf32>, vector<16xf32>, vector<16xi1>) -> (vector<16xi1>, vector<16xf32>, vector<16xf32>)
        %mul3A_658 = arith.mulf %get3A_593, %broadcast_in_dim3A_128 : vector<16xf32>
        %mul3A_659 = arith.mulf %get3A_595, %broadcast_in_dim3A_131 : vector<16xf32>
        %add3A_660 = arith.addf %mul3A_658, %mul3A_659 : vector<16xf32>
        %mul3A_661 = arith.mulf %get3A_597, %broadcast_in_dim3A_134 : vector<16xf32>
        %add3A_662 = arith.addf %add3A_660, %mul3A_661 : vector<16xf32>
        %sub3A_663 = arith.subf %get3A_599, %add3A_662 : vector<16xf32>
        %masked_sort3A_664 = arith.constant dense<true> : vector<16xi1>
        %masked_sort3A_665, %masked_sort3A_666, %masked_sort3A_667 = tpu.sort %sub3A_663, %sub3A_663 masked %masked_sort3A_664 {descending = true} : (vector<16xf32>, vector<16xf32>, vector<16xi1>) -> (vector<16xi1>, vector<16xf32>, vector<16xf32>)
        %min3A_668 = arith.minimumf %scan3A_585, %masked_sort3A_666 : vector<16xf32>
        %masked_sort3A_669 = arith.constant dense<true> : vector<16xi1>
        %masked_sort3A_670, %masked_sort3A_671, %masked_sort3A_672 = tpu.sort %min3A_668, %min3A_668 masked %masked_sort3A_669 : (vector<16xf32>, vector<16xf32>, vector<16xi1>) -> (vector<16xi1>, vector<16xf32>, vector<16xf32>)
        %mul3A_673 = arith.mulf %get3A_593, %broadcast_in_dim3A_148 : vector<16xf32>
        %mul3A_674 = arith.mulf %get3A_595, %broadcast_in_dim3A_151 : vector<16xf32>
        %add3A_675 = arith.addf %mul3A_673, %mul3A_674 : vector<16xf32>
        %mul3A_676 = arith.mulf %get3A_597, %broadcast_in_dim3A_154 : vector<16xf32>
        %add3A_677 = arith.addf %add3A_675, %mul3A_676 : vector<16xf32>
        %sub3A_678 = arith.subf %get3A_599, %add3A_677 : vector<16xf32>
        %masked_sort3A_679 = arith.constant dense<true> : vector<16xi1>
        %masked_sort3A_680, %masked_sort3A_681, %masked_sort3A_682 = tpu.sort %sub3A_678, %sub3A_678 masked %masked_sort3A_679 {descending = true} : (vector<16xf32>, vector<16xf32>, vector<16xi1>) -> (vector<16xi1>, vector<16xf32>, vector<16xf32>)
        %min3A_683 = arith.minimumf %scan3A_586, %masked_sort3A_681 : vector<16xf32>
        %masked_sort3A_684 = arith.constant dense<true> : vector<16xi1>
        %masked_sort3A_685, %masked_sort3A_686, %masked_sort3A_687 = tpu.sort %min3A_683, %min3A_683 masked %masked_sort3A_684 : (vector<16xf32>, vector<16xf32>, vector<16xi1>) -> (vector<16xi1>, vector<16xf32>, vector<16xf32>)
        %mul3A_688 = arith.mulf %get3A_593, %broadcast_in_dim3A_168 : vector<16xf32>
        %mul3A_689 = arith.mulf %get3A_595, %broadcast_in_dim3A_171 : vector<16xf32>
        %add3A_690 = arith.addf %mul3A_688, %mul3A_689 : vector<16xf32>
        %mul3A_691 = arith.mulf %get3A_597, %broadcast_in_dim3A_174 : vector<16xf32>
        %add3A_692 = arith.addf %add3A_690, %mul3A_691 : vector<16xf32>
        %sub3A_693 = arith.subf %get3A_599, %add3A_692 : vector<16xf32>
        %masked_sort3A_694 = arith.constant dense<true> : vector<16xi1>
        %masked_sort3A_695, %masked_sort3A_696, %masked_sort3A_697 = tpu.sort %sub3A_693, %sub3A_693 masked %masked_sort3A_694 {descending = true} : (vector<16xf32>, vector<16xf32>, vector<16xi1>) -> (vector<16xi1>, vector<16xf32>, vector<16xf32>)
        %min3A_698 = arith.minimumf %scan3A_587, %masked_sort3A_696 : vector<16xf32>
        %masked_sort3A_699 = arith.constant dense<true> : vector<16xi1>
        %masked_sort3A_700, %masked_sort3A_701, %masked_sort3A_702 = tpu.sort %min3A_698, %min3A_698 masked %masked_sort3A_699 : (vector<16xf32>, vector<16xf32>, vector<16xi1>) -> (vector<16xi1>, vector<16xf32>, vector<16xf32>)
        %mul3A_703 = arith.mulf %get3A_593, %broadcast_in_dim3A_188 : vector<16xf32>
        %mul3A_704 = arith.mulf %get3A_595, %broadcast_in_dim3A_191 : vector<16xf32>
        %add3A_705 = arith.addf %mul3A_703, %mul3A_704 : vector<16xf32>
        %mul3A_706 = arith.mulf %get3A_597, %broadcast_in_dim3A_194 : vector<16xf32>
        %add3A_707 = arith.addf %add3A_705, %mul3A_706 : vector<16xf32>
        %sub3A_708 = arith.subf %get3A_599, %add3A_707 : vector<16xf32>
        %masked_sort3A_709 = arith.constant dense<true> : vector<16xi1>
        %masked_sort3A_710, %masked_sort3A_711, %masked_sort3A_712 = tpu.sort %sub3A_708, %sub3A_708 masked %masked_sort3A_709 {descending = true} : (vector<16xf32>, vector<16xf32>, vector<16xi1>) -> (vector<16xi1>, vector<16xf32>, vector<16xf32>)
        %min3A_713 = arith.minimumf %scan3A_588, %masked_sort3A_711 : vector<16xf32>
        %masked_sort3A_714 = arith.constant dense<true> : vector<16xi1>
        %masked_sort3A_715, %masked_sort3A_716, %masked_sort3A_717 = tpu.sort %min3A_713, %min3A_713 masked %masked_sort3A_714 : (vector<16xf32>, vector<16xf32>, vector<16xi1>) -> (vector<16xi1>, vector<16xf32>, vector<16xf32>)
        scf.yield %masked_sort3A_611, %masked_sort3A_626, %masked_sort3A_641, %masked_sort3A_656, %masked_sort3A_671, %masked_sort3A_686, %masked_sort3A_701, %masked_sort3A_716 : vector<16xf32>, vector<16xf32>, vector<16xf32>, vector<16xf32>, vector<16xf32>, vector<16xf32>, vector<16xf32>, vector<16xf32>
      }
      %scan3A_221 = arith.constant 256 : i32
      %mul3A_222 = arith.constant 16 : i32
      %mul3A_223 = arith.muli %scan3A_34, %mul3A_222 : i32
      %add3A_224 = arith.constant 0 : i32
      %add3A_225 = arith.addi %mul3A_223, %add3A_224 : i32
      %add3A_226 = arith.constant 0 : i32
      %add3A_227 = arith.addi %add3A_225, %add3A_226 : i32
      %broadcast_in_dim3A_228 = vector.broadcast %add3A_59 : f32 to vector<16xf32>
      %add3A_229 = arith.addf %scan3A_220#0, %broadcast_in_dim3A_228 : vector<16xf32>
      %swap3A = arith.index_cast %add3A_227 : i32 to index
      %swap3A_230 = arith.constant 0 : index
      %swap3A_231 = tpu.vector_load %arg16[%swap3A, %swap3A_230] {strides = array<i32>} : memref<512x16xf32, #tpu.memory_space<vmem>>, vector<16xf32>,
      tpu.vector_store %arg16[%swap3A, %swap3A_230], %add3A_229 {strides = array<i32>} : memref<512x16xf32, #tpu.memory_space<vmem>>, vector<16xf32>,
      %mul3A_232 = arith.constant 16 : i32
      %mul3A_233 = arith.muli %scan3A_34, %mul3A_232 : i32
      %add3A_234 = arith.constant 0 : i32
      %add3A_235 = arith.addi %mul3A_233, %add3A_234 : i32
      %add3A_236 = arith.constant 1 : i32
      %add3A_237 = arith.addi %add3A_235, %add3A_236 : i32
      %broadcast_in_dim3A_238 = vector.broadcast %add3A_79 : f32 to vector<16xf32>
      %add3A_239 = arith.addf %scan3A_220#1, %broadcast_in_dim3A_238 : vector<16xf32>
      %swap3A_240 = arith.index_cast %add3A_237 : i32 to index
      %swap3A_241 = arith.constant 0 : index
      %swap3A_242 = tpu.vector_load %arg16[%swap3A_240, %swap3A_241] {strides = array<i32>} : memref<512x16xf32, #tpu.memory_space<vmem>>, vector<16xf32>,
      tpu.vector_store %arg16[%swap3A_240, %swap3A_241], %add3A_239 {strides = array<i32>} : memref<512x16xf32, #tpu.memory_space<vmem>>, vector<16xf32>,
      %mul3A_243 = arith.constant 16 : i32
      %mul3A_244 = arith.muli %scan3A_34, %mul3A_243 : i32
      %add3A_245 = arith.constant 0 : i32
      %add3A_246 = arith.addi %mul3A_244, %add3A_245 : i32
      %add3A_247 = arith.constant 2 : i32
      %add3A_248 = arith.addi %add3A_246, %add3A_247 : i32
      %broadcast_in_dim3A_249 = vector.broadcast %add3A_99 : f32 to vector<16xf32>
      %add3A_250 = arith.addf %scan3A_220#2, %broadcast_in_dim3A_249 : vector<16xf32>
      %swap3A_251 = arith.index_cast %add3A_248 : i32 to index
      %swap3A_252 = arith.constant 0 : index
      %swap3A_253 = tpu.vector_load %arg16[%swap3A_251, %swap3A_252] {strides = array<i32>} : memref<512x16xf32, #tpu.memory_space<vmem>>, vector<16xf32>,
      tpu.vector_store %arg16[%swap3A_251, %swap3A_252], %add3A_250 {strides = array<i32>} : memref<512x16xf32, #tpu.memory_space<vmem>>, vector<16xf32>,
      %mul3A_254 = arith.constant 16 : i32
      %mul3A_255 = arith.muli %scan3A_34, %mul3A_254 : i32
      %add3A_256 = arith.constant 0 : i32
      %add3A_257 = arith.addi %mul3A_255, %add3A_256 : i32
      %add3A_258 = arith.constant 3 : i32
      %add3A_259 = arith.addi %add3A_257, %add3A_258 : i32
      %broadcast_in_dim3A_260 = vector.broadcast %add3A_119 : f32 to vector<16xf32>
      %add3A_261 = arith.addf %scan3A_220#3, %broadcast_in_dim3A_260 : vector<16xf32>
      %swap3A_262 = arith.index_cast %add3A_259 : i32 to index
      %swap3A_263 = arith.constant 0 : index
      %swap3A_264 = tpu.vector_load %arg16[%swap3A_262, %swap3A_263] {strides = array<i32>} : memref<512x16xf32, #tpu.memory_space<vmem>>, vector<16xf32>,
      tpu.vector_store %arg16[%swap3A_262, %swap3A_263], %add3A_261 {strides = array<i32>} : memref<512x16xf32, #tpu.memory_space<vmem>>, vector<16xf32>,
      %mul3A_265 = arith.constant 16 : i32
      %mul3A_266 = arith.muli %scan3A_34, %mul3A_265 : i32
      %add3A_267 = arith.constant 0 : i32
      %add3A_268 = arith.addi %mul3A_266, %add3A_267 : i32
      %add3A_269 = arith.constant 4 : i32
      %add3A_270 = arith.addi %add3A_268, %add3A_269 : i32
      %broadcast_in_dim3A_271 = vector.broadcast %add3A_139 : f32 to vector<16xf32>
      %add3A_272 = arith.addf %scan3A_220#4, %broadcast_in_dim3A_271 : vector<16xf32>
      %swap3A_273 = arith.index_cast %add3A_270 : i32 to index
      %swap3A_274 = arith.constant 0 : index
      %swap3A_275 = tpu.vector_load %arg16[%swap3A_273, %swap3A_274] {strides = array<i32>} : memref<512x16xf32, #tpu.memory_space<vmem>>, vector<16xf32>,
      tpu.vector_store %arg16[%swap3A_273, %swap3A_274], %add3A_272 {strides = array<i32>} : memref<512x16xf32, #tpu.memory_space<vmem>>, vector<16xf32>,
      %mul3A_276 = arith.constant 16 : i32
      %mul3A_277 = arith.muli %scan3A_34, %mul3A_276 : i32
      %add3A_278 = arith.constant 0 : i32
      %add3A_279 = arith.addi %mul3A_277, %add3A_278 : i32
      %add3A_280 = arith.constant 5 : i32
      %add3A_281 = arith.addi %add3A_279, %add3A_280 : i32
      %broadcast_in_dim3A_282 = vector.broadcast %add3A_159 : f32 to vector<16xf32>
      %add3A_283 = arith.addf %scan3A_220#5, %broadcast_in_dim3A_282 : vector<16xf32>
      %swap3A_284 = arith.index_cast %add3A_281 : i32 to index
      %swap3A_285 = arith.constant 0 : index
      %swap3A_286 = tpu.vector_load %arg16[%swap3A_284, %swap3A_285] {strides = array<i32>} : memref<512x16xf32, #tpu.memory_space<vmem>>, vector<16xf32>,
      tpu.vector_store %arg16[%swap3A_284, %swap3A_285], %add3A_283 {strides = array<i32>} : memref<512x16xf32, #tpu.memory_space<vmem>>, vector<16xf32>,
      %mul3A_287 = arith.constant 16 : i32
      %mul3A_288 = arith.muli %scan3A_34, %mul3A_287 : i32
      %add3A_289 = arith.constant 0 : i32
      %add3A_290 = arith.addi %mul3A_288, %add3A_289 : i32
      %add3A_291 = arith.constant 6 : i32
      %add3A_292 = arith.addi %add3A_290, %add3A_291 : i32
      %broadcast_in_dim3A_293 = vector.broadcast %add3A_179 : f32 to vector<16xf32>
      %add3A_294 = arith.addf %scan3A_220#6, %broadcast_in_dim3A_293 : vector<16xf32>
      %swap3A_295 = arith.index_cast %add3A_292 : i32 to index
      %swap3A_296 = arith.constant 0 : index
      %swap3A_297 = tpu.vector_load %arg16[%swap3A_295, %swap3A_296] {strides = array<i32>} : memref<512x16xf32, #tpu.memory_space<vmem>>, vector<16xf32>,
      tpu.vector_store %arg16[%swap3A_295, %swap3A_296], %add3A_294 {strides = array<i32>} : memref<512x16xf32, #tpu.memory_space<vmem>>, vector<16xf32>,
      %mul3A_298 = arith.constant 16 : i32
      %mul3A_299 = arith.muli %scan3A_34, %mul3A_298 : i32
      %add3A_300 = arith.constant 0 : i32
      %add3A_301 = arith.addi %mul3A_299, %add3A_300 : i32
      %add3A_302 = arith.constant 7 : i32
      %add3A_303 = arith.addi %add3A_301, %add3A_302 : i32
      %broadcast_in_dim3A_304 = vector.broadcast %add3A_199 : f32 to vector<16xf32>
      %add3A_305 = arith.addf %scan3A_220#7, %broadcast_in_dim3A_304 : vector<16xf32>
      %swap3A_306 = arith.index_cast %add3A_303 : i32 to index
      %swap3A_307 = arith.constant 0 : index
      %swap3A_308 = tpu.vector_load %arg16[%swap3A_306, %swap3A_307] {strides = array<i32>} : memref<512x16xf32, #tpu.memory_space<vmem>>, vector<16xf32>,
      tpu.vector_store %arg16[%swap3A_306, %swap3A_307], %add3A_305 {strides = array<i32>} : memref<512x16xf32, #tpu.memory_space<vmem>>, vector<16xf32>,
      %slice3A_309 = vector.extract_strided_slice %get3A_38 {offsets = [8], sizes = [1], strides = [1]} : vector<16xf32> to vector<1xf32>
      %squeeze3A_310 = vector.extract %slice3A_309[0] : f32 from vector<1xf32>
      %slice3A_311 = vector.extract_strided_slice %get3A_40 {offsets = [8], sizes = [1], strides = [1]} : vector<16xf32> to vector<1xf32>
      %squeeze3A_312 = vector.extract %slice3A_311[0] : f32 from vector<1xf32>
      %slice3A_313 = vector.extract_strided_slice %get3A_42 {offsets = [8], sizes = [1], strides = [1]} : vector<16xf32> to vector<1xf32>
      %squeeze3A_314 = vector.extract %slice3A_313[0] : f32 from vector<1xf32>
      %mul3A_315 = arith.constant 2.000000e+00 : f32
      %mul3A_316 = arith.mulf %squeeze3A_310, %mul3A_315 : f32
      %broadcast_in_dim3A_317 = vector.broadcast %mul3A_316 : f32 to vector<16xf32>
      %mul3A_318 = arith.constant 2.000000e+00 : f32
      %mul3A_319 = arith.mulf %squeeze3A_312, %mul3A_318 : f32
      %broadcast_in_dim3A_320 = vector.broadcast %mul3A_319 : f32 to vector<16xf32>
      %mul3A_321 = arith.constant 2.000000e+00 : f32
      %mul3A_322 = arith.mulf %squeeze3A_314, %mul3A_321 : f32
      %broadcast_in_dim3A_323 = vector.broadcast %mul3A_322 : f32 to vector<16xf32>
      %mul3A_324 = arith.mulf %squeeze3A_310, %squeeze3A_310 : f32
      %mul3A_325 = arith.mulf %squeeze3A_312, %squeeze3A_312 : f32
      %add3A_326 = arith.addf %mul3A_324, %mul3A_325 : f32
      %mul3A_327 = arith.mulf %squeeze3A_314, %squeeze3A_314 : f32
      %add3A_328 = arith.addf %add3A_326, %mul3A_327 : f32
      %slice3A_329 = vector.extract_strided_slice %get3A_38 {offsets = [9], sizes = [1], strides = [1]} : vector<16xf32> to vector<1xf32>
      %squeeze3A_330 = vector.extract %slice3A_329[0] : f32 from vector<1xf32>
      %slice3A_331 = vector.extract_strided_slice %get3A_40 {offsets = [9], sizes = [1], strides = [1]} : vector<16xf32> to vector<1xf32>
      %squeeze3A_332 = vector.extract %slice3A_331[0] : f32 from vector<1xf32>
      %slice3A_333 = vector.extract_strided_slice %get3A_42 {offsets = [9], sizes = [1], strides = [1]} : vector<16xf32> to vector<1xf32>
      %squeeze3A_334 = vector.extract %slice3A_333[0] : f32 from vector<1xf32>
      %mul3A_335 = arith.constant 2.000000e+00 : f32
      %mul3A_336 = arith.mulf %squeeze3A_330, %mul3A_335 : f32
      %broadcast_in_dim3A_337 = vector.broadcast %mul3A_336 : f32 to vector<16xf32>
      %mul3A_338 = arith.constant 2.000000e+00 : f32
      %mul3A_339 = arith.mulf %squeeze3A_332, %mul3A_338 : f32
      %broadcast_in_dim3A_340 = vector.broadcast %mul3A_339 : f32 to vector<16xf32>
      %mul3A_341 = arith.constant 2.000000e+00 : f32
      %mul3A_342 = arith.mulf %squeeze3A_334, %mul3A_341 : f32
      %broadcast_in_dim3A_343 = vector.broadcast %mul3A_342 : f32 to vector<16xf32>
      %mul3A_344 = arith.mulf %squeeze3A_330, %squeeze3A_330 : f32
      %mul3A_345 = arith.mulf %squeeze3A_332, %squeeze3A_332 : f32
      %add3A_346 = arith.addf %mul3A_344, %mul3A_345 : f32
      %mul3A_347 = arith.mulf %squeeze3A_334, %squeeze3A_334 : f32
      %add3A_348 = arith.addf %add3A_346, %mul3A_347 : f32
      %slice3A_349 = vector.extract_strided_slice %get3A_38 {offsets = [10], sizes = [1], strides = [1]} : vector<16xf32> to vector<1xf32>
      %squeeze3A_350 = vector.extract %slice3A_349[0] : f32 from vector<1xf32>
      %slice3A_351 = vector.extract_strided_slice %get3A_40 {offsets = [10], sizes = [1], strides = [1]} : vector<16xf32> to vector<1xf32>
      %squeeze3A_352 = vector.extract %slice3A_351[0] : f32 from vector<1xf32>
      %slice3A_353 = vector.extract_strided_slice %get3A_42 {offsets = [10], sizes = [1], strides = [1]} : vector<16xf32> to vector<1xf32>
      %squeeze3A_354 = vector.extract %slice3A_353[0] : f32 from vector<1xf32>
      %mul3A_355 = arith.constant 2.000000e+00 : f32
      %mul3A_356 = arith.mulf %squeeze3A_350, %mul3A_355 : f32
      %broadcast_in_dim3A_357 = vector.broadcast %mul3A_356 : f32 to vector<16xf32>
      %mul3A_358 = arith.constant 2.000000e+00 : f32
      %mul3A_359 = arith.mulf %squeeze3A_352, %mul3A_358 : f32
      %broadcast_in_dim3A_360 = vector.broadcast %mul3A_359 : f32 to vector<16xf32>
      %mul3A_361 = arith.constant 2.000000e+00 : f32
      %mul3A_362 = arith.mulf %squeeze3A_354, %mul3A_361 : f32
      %broadcast_in_dim3A_363 = vector.broadcast %mul3A_362 : f32 to vector<16xf32>
      %mul3A_364 = arith.mulf %squeeze3A_350, %squeeze3A_350 : f32
      %mul3A_365 = arith.mulf %squeeze3A_352, %squeeze3A_352 : f32
      %add3A_366 = arith.addf %mul3A_364, %mul3A_365 : f32
      %mul3A_367 = arith.mulf %squeeze3A_354, %squeeze3A_354 : f32
      %add3A_368 = arith.addf %add3A_366, %mul3A_367 : f32
      %slice3A_369 = vector.extract_strided_slice %get3A_38 {offsets = [11], sizes = [1], strides = [1]} : vector<16xf32> to vector<1xf32>
      %squeeze3A_370 = vector.extract %slice3A_369[0] : f32 from vector<1xf32>
      %slice3A_371 = vector.extract_strided_slice %get3A_40 {offsets = [11], sizes = [1], strides = [1]} : vector<16xf32> to vector<1xf32>
      %squeeze3A_372 = vector.extract %slice3A_371[0] : f32 from vector<1xf32>
      %slice3A_373 = vector.extract_strided_slice %get3A_42 {offsets = [11], sizes = [1], strides = [1]} : vector<16xf32> to vector<1xf32>
      %squeeze3A_374 = vector.extract %slice3A_373[0] : f32 from vector<1xf32>
      %mul3A_375 = arith.constant 2.000000e+00 : f32
      %mul3A_376 = arith.mulf %squeeze3A_370, %mul3A_375 : f32
      %broadcast_in_dim3A_377 = vector.broadcast %mul3A_376 : f32 to vector<16xf32>
      %mul3A_378 = arith.constant 2.000000e+00 : f32
      %mul3A_379 = arith.mulf %squeeze3A_372, %mul3A_378 : f32
      %broadcast_in_dim3A_380 = vector.broadcast %mul3A_379 : f32 to vector<16xf32>
      %mul3A_381 = arith.constant 2.000000e+00 : f32
      %mul3A_382 = arith.mulf %squeeze3A_374, %mul3A_381 : f32
      %broadcast_in_dim3A_383 = vector.broadcast %mul3A_382 : f32 to vector<16xf32>
      %mul3A_384 = arith.mulf %squeeze3A_370, %squeeze3A_370 : f32
      %mul3A_385 = arith.mulf %squeeze3A_372, %squeeze3A_372 : f32
      %add3A_386 = arith.addf %mul3A_384, %mul3A_385 : f32
      %mul3A_387 = arith.mulf %squeeze3A_374, %squeeze3A_374 : f32
      %add3A_388 = arith.addf %add3A_386, %mul3A_387 : f32
      %slice3A_389 = vector.extract_strided_slice %get3A_38 {offsets = [12], sizes = [1], strides = [1]} : vector<16xf32> to vector<1xf32>
      %squeeze3A_390 = vector.extract %slice3A_389[0] : f32 from vector<1xf32>
      %slice3A_391 = vector.extract_strided_slice %get3A_40 {offsets = [12], sizes = [1], strides = [1]} : vector<16xf32> to vector<1xf32>
      %squeeze3A_392 = vector.extract %slice3A_391[0] : f32 from vector<1xf32>
      %slice3A_393 = vector.extract_strided_slice %get3A_42 {offsets = [12], sizes = [1], strides = [1]} : vector<16xf32> to vector<1xf32>
      %squeeze3A_394 = vector.extract %slice3A_393[0] : f32 from vector<1xf32>
      %mul3A_395 = arith.constant 2.000000e+00 : f32
      %mul3A_396 = arith.mulf %squeeze3A_390, %mul3A_395 : f32
      %broadcast_in_dim3A_397 = vector.broadcast %mul3A_396 : f32 to vector<16xf32>
      %mul3A_398 = arith.constant 2.000000e+00 : f32
      %mul3A_399 = arith.mulf %squeeze3A_392, %mul3A_398 : f32
      %broadcast_in_dim3A_400 = vector.broadcast %mul3A_399 : f32 to vector<16xf32>
      %mul3A_401 = arith.constant 2.000000e+00 : f32
      %mul3A_402 = arith.mulf %squeeze3A_394, %mul3A_401 : f32
      %broadcast_in_dim3A_403 = vector.broadcast %mul3A_402 : f32 to vector<16xf32>
      %mul3A_404 = arith.mulf %squeeze3A_390, %squeeze3A_390 : f32
      %mul3A_405 = arith.mulf %squeeze3A_392, %squeeze3A_392 : f32
      %add3A_406 = arith.addf %mul3A_404, %mul3A_405 : f32
      %mul3A_407 = arith.mulf %squeeze3A_394, %squeeze3A_394 : f32
      %add3A_408 = arith.addf %add3A_406, %mul3A_407 : f32
      %slice3A_409 = vector.extract_strided_slice %get3A_38 {offsets = [13], sizes = [1], strides = [1]} : vector<16xf32> to vector<1xf32>
      %squeeze3A_410 = vector.extract %slice3A_409[0] : f32 from vector<1xf32>
      %slice3A_411 = vector.extract_strided_slice %get3A_40 {offsets = [13], sizes = [1], strides = [1]} : vector<16xf32> to vector<1xf32>
      %squeeze3A_412 = vector.extract %slice3A_411[0] : f32 from vector<1xf32>
      %slice3A_413 = vector.extract_strided_slice %get3A_42 {offsets = [13], sizes = [1], strides = [1]} : vector<16xf32> to vector<1xf32>
      %squeeze3A_414 = vector.extract %slice3A_413[0] : f32 from vector<1xf32>
      %mul3A_415 = arith.constant 2.000000e+00 : f32
      %mul3A_416 = arith.mulf %squeeze3A_410, %mul3A_415 : f32
      %broadcast_in_dim3A_417 = vector.broadcast %mul3A_416 : f32 to vector<16xf32>
      %mul3A_418 = arith.constant 2.000000e+00 : f32
      %mul3A_419 = arith.mulf %squeeze3A_412, %mul3A_418 : f32
      %broadcast_in_dim3A_420 = vector.broadcast %mul3A_419 : f32 to vector<16xf32>
      %mul3A_421 = arith.constant 2.000000e+00 : f32
      %mul3A_422 = arith.mulf %squeeze3A_414, %mul3A_421 : f32
      %broadcast_in_dim3A_423 = vector.broadcast %mul3A_422 : f32 to vector<16xf32>
      %mul3A_424 = arith.mulf %squeeze3A_410, %squeeze3A_410 : f32
      %mul3A_425 = arith.mulf %squeeze3A_412, %squeeze3A_412 : f32
      %add3A_426 = arith.addf %mul3A_424, %mul3A_425 : f32
      %mul3A_427 = arith.mulf %squeeze3A_414, %squeeze3A_414 : f32
      %add3A_428 = arith.addf %add3A_426, %mul3A_427 : f32
      %slice3A_429 = vector.extract_strided_slice %get3A_38 {offsets = [14], sizes = [1], strides = [1]} : vector<16xf32> to vector<1xf32>
      %squeeze3A_430 = vector.extract %slice3A_429[0] : f32 from vector<1xf32>
      %slice3A_431 = vector.extract_strided_slice %get3A_40 {offsets = [14], sizes = [1], strides = [1]} : vector<16xf32> to vector<1xf32>
      %squeeze3A_432 = vector.extract %slice3A_431[0] : f32 from vector<1xf32>
      %slice3A_433 = vector.extract_strided_slice %get3A_42 {offsets = [14], sizes = [1], strides = [1]} : vector<16xf32> to vector<1xf32>
      %squeeze3A_434 = vector.extract %slice3A_433[0] : f32 from vector<1xf32>
      %mul3A_435 = arith.constant 2.000000e+00 : f32
      %mul3A_436 = arith.mulf %squeeze3A_430, %mul3A_435 : f32
      %broadcast_in_dim3A_437 = vector.broadcast %mul3A_436 : f32 to vector<16xf32>
      %mul3A_438 = arith.constant 2.000000e+00 : f32
      %mul3A_439 = arith.mulf %squeeze3A_432, %mul3A_438 : f32
      %broadcast_in_dim3A_440 = vector.broadcast %mul3A_439 : f32 to vector<16xf32>
      %mul3A_441 = arith.constant 2.000000e+00 : f32
      %mul3A_442 = arith.mulf %squeeze3A_434, %mul3A_441 : f32
      %broadcast_in_dim3A_443 = vector.broadcast %mul3A_442 : f32 to vector<16xf32>
      %mul3A_444 = arith.mulf %squeeze3A_430, %squeeze3A_430 : f32
      %mul3A_445 = arith.mulf %squeeze3A_432, %squeeze3A_432 : f32
      %add3A_446 = arith.addf %mul3A_444, %mul3A_445 : f32
      %mul3A_447 = arith.mulf %squeeze3A_434, %squeeze3A_434 : f32
      %add3A_448 = arith.addf %add3A_446, %mul3A_447 : f32
      %slice3A_449 = vector.extract_strided_slice %get3A_38 {offsets = [15], sizes = [1], strides = [1]} : vector<16xf32> to vector<1xf32>
      %squeeze3A_450 = vector.extract %slice3A_449[0] : f32 from vector<1xf32>
      %slice3A_451 = vector.extract_strided_slice %get3A_40 {offsets = [15], sizes = [1], strides = [1]} : vector<16xf32> to vector<1xf32>
      %squeeze3A_452 = vector.extract %slice3A_451[0] : f32 from vector<1xf32>
      %slice3A_453 = vector.extract_strided_slice %get3A_42 {offsets = [15], sizes = [1], strides = [1]} : vector<16xf32> to vector<1xf32>
      %squeeze3A_454 = vector.extract %slice3A_453[0] : f32 from vector<1xf32>
      %mul3A_455 = arith.constant 2.000000e+00 : f32
      %mul3A_456 = arith.mulf %squeeze3A_450, %mul3A_455 : f32
      %broadcast_in_dim3A_457 = vector.broadcast %mul3A_456 : f32 to vector<16xf32>
      %mul3A_458 = arith.constant 2.000000e+00 : f32
      %mul3A_459 = arith.mulf %squeeze3A_452, %mul3A_458 : f32
      %broadcast_in_dim3A_460 = vector.broadcast %mul3A_459 : f32 to vector<16xf32>
      %mul3A_461 = arith.constant 2.000000e+00 : f32
      %mul3A_462 = arith.mulf %squeeze3A_454, %mul3A_461 : f32
      %broadcast_in_dim3A_463 = vector.broadcast %mul3A_462 : f32 to vector<16xf32>
      %mul3A_464 = arith.mulf %squeeze3A_450, %squeeze3A_450 : f32
      %mul3A_465 = arith.mulf %squeeze3A_452, %squeeze3A_452 : f32
      %add3A_466 = arith.addf %mul3A_464, %mul3A_465 : f32
      %mul3A_467 = arith.mulf %squeeze3A_454, %squeeze3A_454 : f32
      %add3A_468 = arith.addf %add3A_466, %mul3A_467 : f32
      %broadcast_in_dim3A_469 = arith.constant 0x7F800000 : f32
      %broadcast_in_dim3A_470 = vector.broadcast %broadcast_in_dim3A_469 : f32 to vector<16xf32>
      %broadcast_in_dim3A_471 = arith.constant 0x7F800000 : f32
      %broadcast_in_dim3A_472 = vector.broadcast %broadcast_in_dim3A_471 : f32 to vector<16xf32>
      %broadcast_in_dim3A_473 = arith.constant 0x7F800000 : f32
      %broadcast_in_dim3A_474 = vector.broadcast %broadcast_in_dim3A_473 : f32 to vector<16xf32>
      %broadcast_in_dim3A_475 = arith.constant 0x7F800000 : f32
      %broadcast_in_dim3A_476 = vector.broadcast %broadcast_in_dim3A_475 : f32 to vector<16xf32>
      %broadcast_in_dim3A_477 = arith.constant 0x7F800000 : f32
      %broadcast_in_dim3A_478 = vector.broadcast %broadcast_in_dim3A_477 : f32 to vector<16xf32>
      %broadcast_in_dim3A_479 = arith.constant 0x7F800000 : f32
      %broadcast_in_dim3A_480 = vector.broadcast %broadcast_in_dim3A_479 : f32 to vector<16xf32>
      %broadcast_in_dim3A_481 = arith.constant 0x7F800000 : f32
      %broadcast_in_dim3A_482 = vector.broadcast %broadcast_in_dim3A_481 : f32 to vector<16xf32>
      %broadcast_in_dim3A_483 = arith.constant 0x7F800000 : f32
      %broadcast_in_dim3A_484 = vector.broadcast %broadcast_in_dim3A_483 : f32 to vector<16xf32>
      %scan3A_485 = arith.constant 0 : i32
      %scan3A_486 = arith.constant 256 : i32
      %scan3A_487 = arith.addi %scan3A_485, %scan3A_486 : i32
      %scan3A_488 = arith.constant 1 : i32
      %scan3A_489:8 = scf.for %scan3A_580 = %scan3A_485 to %scan3A_487 step %scan3A_488 iter_args(%scan3A_581 = %broadcast_in_dim3A_470, %scan3A_582 = %broadcast_in_dim3A_472, %scan3A_583 = %broadcast_in_dim3A_474, %scan3A_584 = %broadcast_in_dim3A_476, %scan3A_585 = %broadcast_in_dim3A_478, %scan3A_586 = %broadcast_in_dim3A_480, %scan3A_587 = %broadcast_in_dim3A_482, %scan3A_588 = %broadcast_in_dim3A_484) -> (vector<16xf32>, vector<16xf32>, vector<16xf32>, vector<16xf32>, vector<16xf32>, vector<16xf32>, vector<16xf32>, vector<16xf32>)  : i32 {
        %mul3A_589 = arith.constant 16 : i32
        %mul3A_590 = arith.muli %scan3A_580, %mul3A_589 : i32
        %multiple_of3A_591 = tpu.assume_multiple %mul3A_590, 16 : i32
        %get3A_592 = arith.index_cast %multiple_of3A_591 : i32 to index
        %get3A_593 = tpu.vector_load %arg12[%get3A_592] {strides = array<i32>} : memref<4096xf32, #tpu.memory_space<vmem>>, vector<16xf32>,
        %get3A_594 = arith.index_cast %multiple_of3A_591 : i32 to index
        %get3A_595 = tpu.vector_load %arg13[%get3A_594] {strides = array<i32>} : memref<4096xf32, #tpu.memory_space<vmem>>, vector<16xf32>,
        %get3A_596 = arith.index_cast %multiple_of3A_591 : i32 to index
        %get3A_597 = tpu.vector_load %arg14[%get3A_596] {strides = array<i32>} : memref<4096xf32, #tpu.memory_space<vmem>>, vector<16xf32>,
        %get3A_598 = arith.index_cast %multiple_of3A_591 : i32 to index
        %get3A_599 = tpu.vector_load %arg15[%get3A_598] {strides = array<i32>} : memref<4096xf32, #tpu.memory_space<vmem>>, vector<16xf32>,
        %mul3A_600 = arith.mulf %get3A_593, %broadcast_in_dim3A_317 : vector<16xf32>
        %mul3A_601 = arith.mulf %get3A_595, %broadcast_in_dim3A_320 : vector<16xf32>
        %add3A_602 = arith.addf %mul3A_600, %mul3A_601 : vector<16xf32>
        %mul3A_603 = arith.mulf %get3A_597, %broadcast_in_dim3A_323 : vector<16xf32>
        %add3A_604 = arith.addf %add3A_602, %mul3A_603 : vector<16xf32>
        %sub3A_605 = arith.subf %get3A_599, %add3A_604 : vector<16xf32>
        %masked_sort3A = arith.constant dense<true> : vector<16xi1>
        %masked_sort3A_606, %masked_sort3A_607, %masked_sort3A_608 = tpu.sort %sub3A_605, %sub3A_605 masked %masked_sort3A {descending = true} : (vector<16xf32>, vector<16xf32>, vector<16xi1>) -> (vector<16xi1>, vector<16xf32>, vector<16xf32>)
        %min3A = arith.minimumf %scan3A_581, %masked_sort3A_607 : vector<16xf32>
        %masked_sort3A_609 = arith.constant dense<true> : vector<16xi1>
        %masked_sort3A_610, %masked_sort3A_611, %masked_sort3A_612 = tpu.sort %min3A, %min3A masked %masked_sort3A_609 : (vector<16xf32>, vector<16xf32>, vector<16xi1>) -> (vector<16xi1>, vector<16xf32>, vector<16xf32>)
        %mul3A_613 = arith.mulf %get3A_593, %broadcast_in_dim3A_337 : vector<16xf32>
        %mul3A_614 = arith.mulf %get3A_595, %broadcast_in_dim3A_340 : vector<16xf32>
        %add3A_615 = arith.addf %mul3A_613, %mul3A_614 : vector<16xf32>
        %mul3A_616 = arith.mulf %get3A_597, %broadcast_in_dim3A_343 : vector<16xf32>
        %add3A_617 = arith.addf %add3A_615, %mul3A_616 : vector<16xf32>
        %sub3A_618 = arith.subf %get3A_599, %add3A_617 : vector<16xf32>
        %masked_sort3A_619 = arith.constant dense<true> : vector<16xi1>
        %masked_sort3A_620, %masked_sort3A_621, %masked_sort3A_622 = tpu.sort %sub3A_618, %sub3A_618 masked %masked_sort3A_619 {descending = true} : (vector<16xf32>, vector<16xf32>, vector<16xi1>) -> (vector<16xi1>, vector<16xf32>, vector<16xf32>)
        %min3A_623 = arith.minimumf %scan3A_582, %masked_sort3A_621 : vector<16xf32>
        %masked_sort3A_624 = arith.constant dense<true> : vector<16xi1>
        %masked_sort3A_625, %masked_sort3A_626, %masked_sort3A_627 = tpu.sort %min3A_623, %min3A_623 masked %masked_sort3A_624 : (vector<16xf32>, vector<16xf32>, vector<16xi1>) -> (vector<16xi1>, vector<16xf32>, vector<16xf32>)
        %mul3A_628 = arith.mulf %get3A_593, %broadcast_in_dim3A_357 : vector<16xf32>
        %mul3A_629 = arith.mulf %get3A_595, %broadcast_in_dim3A_360 : vector<16xf32>
        %add3A_630 = arith.addf %mul3A_628, %mul3A_629 : vector<16xf32>
        %mul3A_631 = arith.mulf %get3A_597, %broadcast_in_dim3A_363 : vector<16xf32>
        %add3A_632 = arith.addf %add3A_630, %mul3A_631 : vector<16xf32>
        %sub3A_633 = arith.subf %get3A_599, %add3A_632 : vector<16xf32>
        %masked_sort3A_634 = arith.constant dense<true> : vector<16xi1>
        %masked_sort3A_635, %masked_sort3A_636, %masked_sort3A_637 = tpu.sort %sub3A_633, %sub3A_633 masked %masked_sort3A_634 {descending = true} : (vector<16xf32>, vector<16xf32>, vector<16xi1>) -> (vector<16xi1>, vector<16xf32>, vector<16xf32>)
        %min3A_638 = arith.minimumf %scan3A_583, %masked_sort3A_636 : vector<16xf32>
        %masked_sort3A_639 = arith.constant dense<true> : vector<16xi1>
        %masked_sort3A_640, %masked_sort3A_641, %masked_sort3A_642 = tpu.sort %min3A_638, %min3A_638 masked %masked_sort3A_639 : (vector<16xf32>, vector<16xf32>, vector<16xi1>) -> (vector<16xi1>, vector<16xf32>, vector<16xf32>)
        %mul3A_643 = arith.mulf %get3A_593, %broadcast_in_dim3A_377 : vector<16xf32>
        %mul3A_644 = arith.mulf %get3A_595, %broadcast_in_dim3A_380 : vector<16xf32>
        %add3A_645 = arith.addf %mul3A_643, %mul3A_644 : vector<16xf32>
        %mul3A_646 = arith.mulf %get3A_597, %broadcast_in_dim3A_383 : vector<16xf32>
        %add3A_647 = arith.addf %add3A_645, %mul3A_646 : vector<16xf32>
        %sub3A_648 = arith.subf %get3A_599, %add3A_647 : vector<16xf32>
        %masked_sort3A_649 = arith.constant dense<true> : vector<16xi1>
        %masked_sort3A_650, %masked_sort3A_651, %masked_sort3A_652 = tpu.sort %sub3A_648, %sub3A_648 masked %masked_sort3A_649 {descending = true} : (vector<16xf32>, vector<16xf32>, vector<16xi1>) -> (vector<16xi1>, vector<16xf32>, vector<16xf32>)
        %min3A_653 = arith.minimumf %scan3A_584, %masked_sort3A_651 : vector<16xf32>
        %masked_sort3A_654 = arith.constant dense<true> : vector<16xi1>
        %masked_sort3A_655, %masked_sort3A_656, %masked_sort3A_657 = tpu.sort %min3A_653, %min3A_653 masked %masked_sort3A_654 : (vector<16xf32>, vector<16xf32>, vector<16xi1>) -> (vector<16xi1>, vector<16xf32>, vector<16xf32>)
        %mul3A_658 = arith.mulf %get3A_593, %broadcast_in_dim3A_397 : vector<16xf32>
        %mul3A_659 = arith.mulf %get3A_595, %broadcast_in_dim3A_400 : vector<16xf32>
        %add3A_660 = arith.addf %mul3A_658, %mul3A_659 : vector<16xf32>
        %mul3A_661 = arith.mulf %get3A_597, %broadcast_in_dim3A_403 : vector<16xf32>
        %add3A_662 = arith.addf %add3A_660, %mul3A_661 : vector<16xf32>
        %sub3A_663 = arith.subf %get3A_599, %add3A_662 : vector<16xf32>
        %masked_sort3A_664 = arith.constant dense<true> : vector<16xi1>
        %masked_sort3A_665, %masked_sort3A_666, %masked_sort3A_667 = tpu.sort %sub3A_663, %sub3A_663 masked %masked_sort3A_664 {descending = true} : (vector<16xf32>, vector<16xf32>, vector<16xi1>) -> (vector<16xi1>, vector<16xf32>, vector<16xf32>)
        %min3A_668 = arith.minimumf %scan3A_585, %masked_sort3A_666 : vector<16xf32>
        %masked_sort3A_669 = arith.constant dense<true> : vector<16xi1>
        %masked_sort3A_670, %masked_sort3A_671, %masked_sort3A_672 = tpu.sort %min3A_668, %min3A_668 masked %masked_sort3A_669 : (vector<16xf32>, vector<16xf32>, vector<16xi1>) -> (vector<16xi1>, vector<16xf32>, vector<16xf32>)
        %mul3A_673 = arith.mulf %get3A_593, %broadcast_in_dim3A_417 : vector<16xf32>
        %mul3A_674 = arith.mulf %get3A_595, %broadcast_in_dim3A_420 : vector<16xf32>
        %add3A_675 = arith.addf %mul3A_673, %mul3A_674 : vector<16xf32>
        %mul3A_676 = arith.mulf %get3A_597, %broadcast_in_dim3A_423 : vector<16xf32>
        %add3A_677 = arith.addf %add3A_675, %mul3A_676 : vector<16xf32>
        %sub3A_678 = arith.subf %get3A_599, %add3A_677 : vector<16xf32>
        %masked_sort3A_679 = arith.constant dense<true> : vector<16xi1>
        %masked_sort3A_680, %masked_sort3A_681, %masked_sort3A_682 = tpu.sort %sub3A_678, %sub3A_678 masked %masked_sort3A_679 {descending = true} : (vector<16xf32>, vector<16xf32>, vector<16xi1>) -> (vector<16xi1>, vector<16xf32>, vector<16xf32>)
        %min3A_683 = arith.minimumf %scan3A_586, %masked_sort3A_681 : vector<16xf32>
        %masked_sort3A_684 = arith.constant dense<true> : vector<16xi1>
        %masked_sort3A_685, %masked_sort3A_686, %masked_sort3A_687 = tpu.sort %min3A_683, %min3A_683 masked %masked_sort3A_684 : (vector<16xf32>, vector<16xf32>, vector<16xi1>) -> (vector<16xi1>, vector<16xf32>, vector<16xf32>)
        %mul3A_688 = arith.mulf %get3A_593, %broadcast_in_dim3A_437 : vector<16xf32>
        %mul3A_689 = arith.mulf %get3A_595, %broadcast_in_dim3A_440 : vector<16xf32>
        %add3A_690 = arith.addf %mul3A_688, %mul3A_689 : vector<16xf32>
        %mul3A_691 = arith.mulf %get3A_597, %broadcast_in_dim3A_443 : vector<16xf32>
        %add3A_692 = arith.addf %add3A_690, %mul3A_691 : vector<16xf32>
        %sub3A_693 = arith.subf %get3A_599, %add3A_692 : vector<16xf32>
        %masked_sort3A_694 = arith.constant dense<true> : vector<16xi1>
        %masked_sort3A_695, %masked_sort3A_696, %masked_sort3A_697 = tpu.sort %sub3A_693, %sub3A_693 masked %masked_sort3A_694 {descending = true} : (vector<16xf32>, vector<16xf32>, vector<16xi1>) -> (vector<16xi1>, vector<16xf32>, vector<16xf32>)
        %min3A_698 = arith.minimumf %scan3A_587, %masked_sort3A_696 : vector<16xf32>
        %masked_sort3A_699 = arith.constant dense<true> : vector<16xi1>
        %masked_sort3A_700, %masked_sort3A_701, %masked_sort3A_702 = tpu.sort %min3A_698, %min3A_698 masked %masked_sort3A_699 : (vector<16xf32>, vector<16xf32>, vector<16xi1>) -> (vector<16xi1>, vector<16xf32>, vector<16xf32>)
        %mul3A_703 = arith.mulf %get3A_593, %broadcast_in_dim3A_457 : vector<16xf32>
        %mul3A_704 = arith.mulf %get3A_595, %broadcast_in_dim3A_460 : vector<16xf32>
        %add3A_705 = arith.addf %mul3A_703, %mul3A_704 : vector<16xf32>
        %mul3A_706 = arith.mulf %get3A_597, %broadcast_in_dim3A_463 : vector<16xf32>
        %add3A_707 = arith.addf %add3A_705, %mul3A_706 : vector<16xf32>
        %sub3A_708 = arith.subf %get3A_599, %add3A_707 : vector<16xf32>
        %masked_sort3A_709 = arith.constant dense<true> : vector<16xi1>
        %masked_sort3A_710, %masked_sort3A_711, %masked_sort3A_712 = tpu.sort %sub3A_708, %sub3A_708 masked %masked_sort3A_709 {descending = true} : (vector<16xf32>, vector<16xf32>, vector<16xi1>) -> (vector<16xi1>, vector<16xf32>, vector<16xf32>)
        %min3A_713 = arith.minimumf %scan3A_588, %masked_sort3A_711 : vector<16xf32>
        %masked_sort3A_714 = arith.constant dense<true> : vector<16xi1>
        %masked_sort3A_715, %masked_sort3A_716, %masked_sort3A_717 = tpu.sort %min3A_713, %min3A_713 masked %masked_sort3A_714 : (vector<16xf32>, vector<16xf32>, vector<16xi1>) -> (vector<16xi1>, vector<16xf32>, vector<16xf32>)
        scf.yield %masked_sort3A_611, %masked_sort3A_626, %masked_sort3A_641, %masked_sort3A_656, %masked_sort3A_671, %masked_sort3A_686, %masked_sort3A_701, %masked_sort3A_716 : vector<16xf32>, vector<16xf32>, vector<16xf32>, vector<16xf32>, vector<16xf32>, vector<16xf32>, vector<16xf32>, vector<16xf32>
      }
      %scan3A_490 = arith.constant 256 : i32
      %mul3A_491 = arith.constant 16 : i32
      %mul3A_492 = arith.muli %scan3A_34, %mul3A_491 : i32
      %add3A_493 = arith.constant 8 : i32
      %add3A_494 = arith.addi %mul3A_492, %add3A_493 : i32
      %add3A_495 = arith.constant 0 : i32
      %add3A_496 = arith.addi %add3A_494, %add3A_495 : i32
      %broadcast_in_dim3A_497 = vector.broadcast %add3A_328 : f32 to vector<16xf32>
      %add3A_498 = arith.addf %scan3A_489#0, %broadcast_in_dim3A_497 : vector<16xf32>
      %swap3A_499 = arith.index_cast %add3A_496 : i32 to index
      %swap3A_500 = arith.constant 0 : index
      %swap3A_501 = tpu.vector_load %arg16[%swap3A_499, %swap3A_500] {strides = array<i32>} : memref<512x16xf32, #tpu.memory_space<vmem>>, vector<16xf32>,
      tpu.vector_store %arg16[%swap3A_499, %swap3A_500], %add3A_498 {strides = array<i32>} : memref<512x16xf32, #tpu.memory_space<vmem>>, vector<16xf32>,
      %mul3A_502 = arith.constant 16 : i32
      %mul3A_503 = arith.muli %scan3A_34, %mul3A_502 : i32
      %add3A_504 = arith.constant 8 : i32
      %add3A_505 = arith.addi %mul3A_503, %add3A_504 : i32
      %add3A_506 = arith.constant 1 : i32
      %add3A_507 = arith.addi %add3A_505, %add3A_506 : i32
      %broadcast_in_dim3A_508 = vector.broadcast %add3A_348 : f32 to vector<16xf32>
      %add3A_509 = arith.addf %scan3A_489#1, %broadcast_in_dim3A_508 : vector<16xf32>
      %swap3A_510 = arith.index_cast %add3A_507 : i32 to index
      %swap3A_511 = arith.constant 0 : index
      %swap3A_512 = tpu.vector_load %arg16[%swap3A_510, %swap3A_511] {strides = array<i32>} : memref<512x16xf32, #tpu.memory_space<vmem>>, vector<16xf32>,
      tpu.vector_store %arg16[%swap3A_510, %swap3A_511], %add3A_509 {strides = array<i32>} : memref<512x16xf32, #tpu.memory_space<vmem>>, vector<16xf32>,
      %mul3A_513 = arith.constant 16 : i32
      %mul3A_514 = arith.muli %scan3A_34, %mul3A_513 : i32
      %add3A_515 = arith.constant 8 : i32
      %add3A_516 = arith.addi %mul3A_514, %add3A_515 : i32
      %add3A_517 = arith.constant 2 : i32
      %add3A_518 = arith.addi %add3A_516, %add3A_517 : i32
      %broadcast_in_dim3A_519 = vector.broadcast %add3A_368 : f32 to vector<16xf32>
      %add3A_520 = arith.addf %scan3A_489#2, %broadcast_in_dim3A_519 : vector<16xf32>
      %swap3A_521 = arith.index_cast %add3A_518 : i32 to index
      %swap3A_522 = arith.constant 0 : index
      %swap3A_523 = tpu.vector_load %arg16[%swap3A_521, %swap3A_522] {strides = array<i32>} : memref<512x16xf32, #tpu.memory_space<vmem>>, vector<16xf32>,
      tpu.vector_store %arg16[%swap3A_521, %swap3A_522], %add3A_520 {strides = array<i32>} : memref<512x16xf32, #tpu.memory_space<vmem>>, vector<16xf32>,
      %mul3A_524 = arith.constant 16 : i32
      %mul3A_525 = arith.muli %scan3A_34, %mul3A_524 : i32
      %add3A_526 = arith.constant 8 : i32
      %add3A_527 = arith.addi %mul3A_525, %add3A_526 : i32
      %add3A_528 = arith.constant 3 : i32
      %add3A_529 = arith.addi %add3A_527, %add3A_528 : i32
      %broadcast_in_dim3A_530 = vector.broadcast %add3A_388 : f32 to vector<16xf32>
      %add3A_531 = arith.addf %scan3A_489#3, %broadcast_in_dim3A_530 : vector<16xf32>
      %swap3A_532 = arith.index_cast %add3A_529 : i32 to index
      %swap3A_533 = arith.constant 0 : index
      %swap3A_534 = tpu.vector_load %arg16[%swap3A_532, %swap3A_533] {strides = array<i32>} : memref<512x16xf32, #tpu.memory_space<vmem>>, vector<16xf32>,
      tpu.vector_store %arg16[%swap3A_532, %swap3A_533], %add3A_531 {strides = array<i32>} : memref<512x16xf32, #tpu.memory_space<vmem>>, vector<16xf32>,
      %mul3A_535 = arith.constant 16 : i32
      %mul3A_536 = arith.muli %scan3A_34, %mul3A_535 : i32
      %add3A_537 = arith.constant 8 : i32
      %add3A_538 = arith.addi %mul3A_536, %add3A_537 : i32
      %add3A_539 = arith.constant 4 : i32
      %add3A_540 = arith.addi %add3A_538, %add3A_539 : i32
      %broadcast_in_dim3A_541 = vector.broadcast %add3A_408 : f32 to vector<16xf32>
      %add3A_542 = arith.addf %scan3A_489#4, %broadcast_in_dim3A_541 : vector<16xf32>
      %swap3A_543 = arith.index_cast %add3A_540 : i32 to index
      %swap3A_544 = arith.constant 0 : index
      %swap3A_545 = tpu.vector_load %arg16[%swap3A_543, %swap3A_544] {strides = array<i32>} : memref<512x16xf32, #tpu.memory_space<vmem>>, vector<16xf32>,
      tpu.vector_store %arg16[%swap3A_543, %swap3A_544], %add3A_542 {strides = array<i32>} : memref<512x16xf32, #tpu.memory_space<vmem>>, vector<16xf32>,
      %mul3A_546 = arith.constant 16 : i32
      %mul3A_547 = arith.muli %scan3A_34, %mul3A_546 : i32
      %add3A_548 = arith.constant 8 : i32
      %add3A_549 = arith.addi %mul3A_547, %add3A_548 : i32
      %add3A_550 = arith.constant 5 : i32
      %add3A_551 = arith.addi %add3A_549, %add3A_550 : i32
      %broadcast_in_dim3A_552 = vector.broadcast %add3A_428 : f32 to vector<16xf32>
      %add3A_553 = arith.addf %scan3A_489#5, %broadcast_in_dim3A_552 : vector<16xf32>
      %swap3A_554 = arith.index_cast %add3A_551 : i32 to index
      %swap3A_555 = arith.constant 0 : index
      %swap3A_556 = tpu.vector_load %arg16[%swap3A_554, %swap3A_555] {strides = array<i32>} : memref<512x16xf32, #tpu.memory_space<vmem>>, vector<16xf32>,
      tpu.vector_store %arg16[%swap3A_554, %swap3A_555], %add3A_553 {strides = array<i32>} : memref<512x16xf32, #tpu.memory_space<vmem>>, vector<16xf32>,
      %mul3A_557 = arith.constant 16 : i32
      %mul3A_558 = arith.muli %scan3A_34, %mul3A_557 : i32
      %add3A_559 = arith.constant 8 : i32
      %add3A_560 = arith.addi %mul3A_558, %add3A_559 : i32
      %add3A_561 = arith.constant 6 : i32
      %add3A_562 = arith.addi %add3A_560, %add3A_561 : i32
      %broadcast_in_dim3A_563 = vector.broadcast %add3A_448 : f32 to vector<16xf32>
      %add3A_564 = arith.addf %scan3A_489#6, %broadcast_in_dim3A_563 : vector<16xf32>
      %swap3A_565 = arith.index_cast %add3A_562 : i32 to index
      %swap3A_566 = arith.constant 0 : index
      %swap3A_567 = tpu.vector_load %arg16[%swap3A_565, %swap3A_566] {strides = array<i32>} : memref<512x16xf32, #tpu.memory_space<vmem>>, vector<16xf32>,
      tpu.vector_store %arg16[%swap3A_565, %swap3A_566], %add3A_564 {strides = array<i32>} : memref<512x16xf32, #tpu.memory_space<vmem>>, vector<16xf32>,
      %mul3A_568 = arith.constant 16 : i32
      %mul3A_569 = arith.muli %scan3A_34, %mul3A_568 : i32
      %add3A_570 = arith.constant 8 : i32
      %add3A_571 = arith.addi %mul3A_569, %add3A_570 : i32
      %add3A_572 = arith.constant 7 : i32
      %add3A_573 = arith.addi %add3A_571, %add3A_572 : i32
      %broadcast_in_dim3A_574 = vector.broadcast %add3A_468 : f32 to vector<16xf32>
      %add3A_575 = arith.addf %scan3A_489#7, %broadcast_in_dim3A_574 : vector<16xf32>
      %swap3A_576 = arith.index_cast %add3A_573 : i32 to index
      %swap3A_577 = arith.constant 0 : index
      %swap3A_578 = tpu.vector_load %arg16[%swap3A_576, %swap3A_577] {strides = array<i32>} : memref<512x16xf32, #tpu.memory_space<vmem>>, vector<16xf32>,
      tpu.vector_store %arg16[%swap3A_576, %swap3A_577], %add3A_575 {strides = array<i32>} : memref<512x16xf32, #tpu.memory_space<vmem>>, vector<16xf32>,
      %scan3A_579 = arith.constant 0 : i32
      scf.yield %scan3A_579 : i32
    }
    %scan3A_33 = arith.constant 32 : i32
    "tpu.region"() ({
      %run_scoped3A = tpu.sem_alloc : memref<!tpu.dma_semaphore, #tpu.memory_space<semaphore_mem>>
      %dma_start3A = arith.constant 0 : i32
      %dma_start3A_34 = tpu.memref_slice %arg8[%mul3A_18, %dma_start3A] : memref<16384x16xf32, #tpu.memory_space<hbm>> -> memref<512x16xf32, #tpu.memory_space<hbm>>
      %dma_start3A_35 = arith.constant 0 : i32
      %dma_start3A_36 = tpu.memref_slice %arg8[%mul3A_18, %dma_start3A_35] : memref<16384x16xf32, #tpu.memory_space<hbm>> -> memref<512x16xf32, #tpu.memory_space<hbm>>
      tpu.enqueue_dma source(%arg16 : memref<512x16xf32, #tpu.memory_space<vmem>>) target(%dma_start3A_36 : memref<512x16xf32, #tpu.memory_space<hbm>>) target_semaphore(%run_scoped3A : memref<!tpu.dma_semaphore, #tpu.memory_space<semaphore_mem>>)
      %dma_wait3A = arith.constant 0 : i32
      %dma_wait3A_37 = tpu.memref_slice %arg8[%mul3A_18, %dma_wait3A] : memref<16384x16xf32, #tpu.memory_space<hbm>> -> memref<512x16xf32, #tpu.memory_space<hbm>>
      %dma_wait3A_38 = arith.constant 0 : i32
      %dma_wait3A_39 = tpu.memref_slice %arg8[%mul3A_18, %dma_wait3A_38] : memref<16384x16xf32, #tpu.memory_space<hbm>> -> memref<512x16xf32, #tpu.memory_space<hbm>>
      tpu.wait_dma2 semaphore(%run_scoped3A : memref<!tpu.dma_semaphore, #tpu.memory_space<semaphore_mem>>) src(%arg16 : memref<512x16xf32, #tpu.memory_space<vmem>>) dst(%dma_wait3A_39 : memref<512x16xf32, #tpu.memory_space<hbm>>)
      tpu.yield
    }) : () -> ()
    return
  }
}

module attributes {stable_mosaic.version = 14 : i64} {
  func.func @_tc_loss_body(%arg0: memref<4x512x128xf32, #tpu.memory_space<vmem>>, %arg1: memref<4x512x128xf32, #tpu.memory_space<vmem>>, %arg2: memref<4x32x128xf32, #tpu.memory_space<vmem>>, %arg3: memref<1x1xf32, #tpu.memory_space<smem>>) attributes {dimension_semantics = [], scalar_prefetch = 0 : i64, scratch_operands = 0 : i64, tpu.core_type = #tpu.core_type<tc>} {
    %get3A = arith.constant 0 : index
    %get3A_0 = arith.constant 0 : index
    %get3A_1 = arith.constant 0 : index
    %get3A_2 = vector.load %arg0[%get3A, %get3A_0, %get3A_1] : memref<4x512x128xf32, #tpu.memory_space<vmem>>, vector<1x512x128xf32>
    %get3A_3 = vector.shape_cast %get3A_2 : vector<1x512x128xf32> to vector<512x128xf32>
    %max3A = arith.constant 0.000000e+00 : f32
    %max3A_4 = vector.broadcast %max3A : f32 to vector<512x128xf32>
    %max3A_5 = arith.maximumf %get3A_3, %max3A_4 : vector<512x128xf32>
    %sqrt3A = math.sqrt %max3A_5 : vector<512x128xf32>
    %get3A_6 = arith.constant 0 : index
    %get3A_7 = arith.constant 0 : index
    %get3A_8 = arith.constant 0 : index
    %get3A_9 = vector.load %arg1[%get3A_6, %get3A_7, %get3A_8] : memref<4x512x128xf32, #tpu.memory_space<vmem>>, vector<1x512x128xf32>
    %get3A_10 = vector.shape_cast %get3A_9 : vector<1x512x128xf32> to vector<512x128xf32>
    %mul3A = arith.mulf %sqrt3A, %get3A_10 : vector<512x128xf32>
    %reduce_sum3A = vector.shape_cast %mul3A : vector<512x128xf32> to vector<1x512x128xf32>
    %reduce_sum3A_11 = arith.constant dense<0.000000e+00> : vector<1xf32>
    %reduce_sum3A_12 = vector.multi_reduction <add>, %reduce_sum3A, %reduce_sum3A_11 [1, 2] : vector<1x512x128xf32> to vector<1xf32>
    %reduce_sum3A_13 = vector.shape_cast %reduce_sum3A_12 : vector<1xf32> to vector<1x1x1xf32>
    %reduce_sum3A_14 = vector.extract %reduce_sum3A_13[0, 0, 0] : f32 from vector<1x1x1xf32>
    %get3A_15 = arith.constant 0 : index
    %get3A_16 = arith.constant 0 : index
    %get3A_17 = arith.constant 0 : index
    %get3A_18 = vector.load %arg2[%get3A_15, %get3A_16, %get3A_17] : memref<4x32x128xf32, #tpu.memory_space<vmem>>, vector<1x32x128xf32>
    %get3A_19 = vector.shape_cast %get3A_18 : vector<1x32x128xf32> to vector<32x128xf32>
    %reduce_sum3A_20 = vector.shape_cast %get3A_19 : vector<32x128xf32> to vector<1x32x128xf32>
    %reduce_sum3A_21 = arith.constant dense<0.000000e+00> : vector<1xf32>
    %reduce_sum3A_22 = vector.multi_reduction <add>, %reduce_sum3A_20, %reduce_sum3A_21 [1, 2] : vector<1x32x128xf32> to vector<1xf32>
    %reduce_sum3A_23 = vector.shape_cast %reduce_sum3A_22 : vector<1xf32> to vector<1x1x1xf32>
    %reduce_sum3A_24 = vector.extract %reduce_sum3A_23[0, 0, 0] : f32 from vector<1x1x1xf32>
    %mul3A_25 = arith.constant 1.600000e+01 : f32
    %mul3A_26 = arith.mulf %reduce_sum3A_24, %mul3A_25 : f32
    %div3A = arith.divf %reduce_sum3A_14, %mul3A_26 : f32
    %add3A = arith.constant 0.000000e+00 : f32
    %add3A_27 = arith.addf %add3A, %div3A : f32
    %get3A_28 = arith.constant 1 : index
    %get3A_29 = arith.constant 0 : index
    %get3A_30 = arith.constant 0 : index
    %get3A_31 = vector.load %arg0[%get3A_28, %get3A_29, %get3A_30] : memref<4x512x128xf32, #tpu.memory_space<vmem>>, vector<1x512x128xf32>
    %get3A_32 = vector.shape_cast %get3A_31 : vector<1x512x128xf32> to vector<512x128xf32>
    %max3A_33 = arith.constant 0.000000e+00 : f32
    %max3A_34 = vector.broadcast %max3A_33 : f32 to vector<512x128xf32>
    %max3A_35 = arith.maximumf %get3A_32, %max3A_34 : vector<512x128xf32>
    %sqrt3A_36 = math.sqrt %max3A_35 : vector<512x128xf32>
    %get3A_37 = arith.constant 1 : index
    %get3A_38 = arith.constant 0 : index
    %get3A_39 = arith.constant 0 : index
    %get3A_40 = vector.load %arg1[%get3A_37, %get3A_38, %get3A_39] : memref<4x512x128xf32, #tpu.memory_space<vmem>>, vector<1x512x128xf32>
    %get3A_41 = vector.shape_cast %get3A_40 : vector<1x512x128xf32> to vector<512x128xf32>
    %mul3A_42 = arith.mulf %sqrt3A_36, %get3A_41 : vector<512x128xf32>
    %reduce_sum3A_43 = vector.shape_cast %mul3A_42 : vector<512x128xf32> to vector<1x512x128xf32>
    %reduce_sum3A_44 = arith.constant dense<0.000000e+00> : vector<1xf32>
    %reduce_sum3A_45 = vector.multi_reduction <add>, %reduce_sum3A_43, %reduce_sum3A_44 [1, 2] : vector<1x512x128xf32> to vector<1xf32>
    %reduce_sum3A_46 = vector.shape_cast %reduce_sum3A_45 : vector<1xf32> to vector<1x1x1xf32>
    %reduce_sum3A_47 = vector.extract %reduce_sum3A_46[0, 0, 0] : f32 from vector<1x1x1xf32>
    %get3A_48 = arith.constant 1 : index
    %get3A_49 = arith.constant 0 : index
    %get3A_50 = arith.constant 0 : index
    %get3A_51 = vector.load %arg2[%get3A_48, %get3A_49, %get3A_50] : memref<4x32x128xf32, #tpu.memory_space<vmem>>, vector<1x32x128xf32>
    %get3A_52 = vector.shape_cast %get3A_51 : vector<1x32x128xf32> to vector<32x128xf32>
    %reduce_sum3A_53 = vector.shape_cast %get3A_52 : vector<32x128xf32> to vector<1x32x128xf32>
    %reduce_sum3A_54 = arith.constant dense<0.000000e+00> : vector<1xf32>
    %reduce_sum3A_55 = vector.multi_reduction <add>, %reduce_sum3A_53, %reduce_sum3A_54 [1, 2] : vector<1x32x128xf32> to vector<1xf32>
    %reduce_sum3A_56 = vector.shape_cast %reduce_sum3A_55 : vector<1xf32> to vector<1x1x1xf32>
    %reduce_sum3A_57 = vector.extract %reduce_sum3A_56[0, 0, 0] : f32 from vector<1x1x1xf32>
    %mul3A_58 = arith.constant 1.600000e+01 : f32
    %mul3A_59 = arith.mulf %reduce_sum3A_57, %mul3A_58 : f32
    %div3A_60 = arith.divf %reduce_sum3A_47, %mul3A_59 : f32
    %add3A_61 = arith.addf %add3A_27, %div3A_60 : f32
    %get3A_62 = arith.constant 2 : index
    %get3A_63 = arith.constant 0 : index
    %get3A_64 = arith.constant 0 : index
    %get3A_65 = vector.load %arg0[%get3A_62, %get3A_63, %get3A_64] : memref<4x512x128xf32, #tpu.memory_space<vmem>>, vector<1x512x128xf32>
    %get3A_66 = vector.shape_cast %get3A_65 : vector<1x512x128xf32> to vector<512x128xf32>
    %max3A_67 = arith.constant 0.000000e+00 : f32
    %max3A_68 = vector.broadcast %max3A_67 : f32 to vector<512x128xf32>
    %max3A_69 = arith.maximumf %get3A_66, %max3A_68 : vector<512x128xf32>
    %sqrt3A_70 = math.sqrt %max3A_69 : vector<512x128xf32>
    %get3A_71 = arith.constant 2 : index
    %get3A_72 = arith.constant 0 : index
    %get3A_73 = arith.constant 0 : index
    %get3A_74 = vector.load %arg1[%get3A_71, %get3A_72, %get3A_73] : memref<4x512x128xf32, #tpu.memory_space<vmem>>, vector<1x512x128xf32>
    %get3A_75 = vector.shape_cast %get3A_74 : vector<1x512x128xf32> to vector<512x128xf32>
    %mul3A_76 = arith.mulf %sqrt3A_70, %get3A_75 : vector<512x128xf32>
    %reduce_sum3A_77 = vector.shape_cast %mul3A_76 : vector<512x128xf32> to vector<1x512x128xf32>
    %reduce_sum3A_78 = arith.constant dense<0.000000e+00> : vector<1xf32>
    %reduce_sum3A_79 = vector.multi_reduction <add>, %reduce_sum3A_77, %reduce_sum3A_78 [1, 2] : vector<1x512x128xf32> to vector<1xf32>
    %reduce_sum3A_80 = vector.shape_cast %reduce_sum3A_79 : vector<1xf32> to vector<1x1x1xf32>
    %reduce_sum3A_81 = vector.extract %reduce_sum3A_80[0, 0, 0] : f32 from vector<1x1x1xf32>
    %get3A_82 = arith.constant 2 : index
    %get3A_83 = arith.constant 0 : index
    %get3A_84 = arith.constant 0 : index
    %get3A_85 = vector.load %arg2[%get3A_82, %get3A_83, %get3A_84] : memref<4x32x128xf32, #tpu.memory_space<vmem>>, vector<1x32x128xf32>
    %get3A_86 = vector.shape_cast %get3A_85 : vector<1x32x128xf32> to vector<32x128xf32>
    %reduce_sum3A_87 = vector.shape_cast %get3A_86 : vector<32x128xf32> to vector<1x32x128xf32>
    %reduce_sum3A_88 = arith.constant dense<0.000000e+00> : vector<1xf32>
    %reduce_sum3A_89 = vector.multi_reduction <add>, %reduce_sum3A_87, %reduce_sum3A_88 [1, 2] : vector<1x32x128xf32> to vector<1xf32>
    %reduce_sum3A_90 = vector.shape_cast %reduce_sum3A_89 : vector<1xf32> to vector<1x1x1xf32>
    %reduce_sum3A_91 = vector.extract %reduce_sum3A_90[0, 0, 0] : f32 from vector<1x1x1xf32>
    %mul3A_92 = arith.constant 1.600000e+01 : f32
    %mul3A_93 = arith.mulf %reduce_sum3A_91, %mul3A_92 : f32
    %div3A_94 = arith.divf %reduce_sum3A_81, %mul3A_93 : f32
    %add3A_95 = arith.addf %add3A_61, %div3A_94 : f32
    %get3A_96 = arith.constant 3 : index
    %get3A_97 = arith.constant 0 : index
    %get3A_98 = arith.constant 0 : index
    %get3A_99 = vector.load %arg0[%get3A_96, %get3A_97, %get3A_98] : memref<4x512x128xf32, #tpu.memory_space<vmem>>, vector<1x512x128xf32>
    %get3A_100 = vector.shape_cast %get3A_99 : vector<1x512x128xf32> to vector<512x128xf32>
    %max3A_101 = arith.constant 0.000000e+00 : f32
    %max3A_102 = vector.broadcast %max3A_101 : f32 to vector<512x128xf32>
    %max3A_103 = arith.maximumf %get3A_100, %max3A_102 : vector<512x128xf32>
    %sqrt3A_104 = math.sqrt %max3A_103 : vector<512x128xf32>
    %get3A_105 = arith.constant 3 : index
    %get3A_106 = arith.constant 0 : index
    %get3A_107 = arith.constant 0 : index
    %get3A_108 = vector.load %arg1[%get3A_105, %get3A_106, %get3A_107] : memref<4x512x128xf32, #tpu.memory_space<vmem>>, vector<1x512x128xf32>
    %get3A_109 = vector.shape_cast %get3A_108 : vector<1x512x128xf32> to vector<512x128xf32>
    %mul3A_110 = arith.mulf %sqrt3A_104, %get3A_109 : vector<512x128xf32>
    %reduce_sum3A_111 = vector.shape_cast %mul3A_110 : vector<512x128xf32> to vector<1x512x128xf32>
    %reduce_sum3A_112 = arith.constant dense<0.000000e+00> : vector<1xf32>
    %reduce_sum3A_113 = vector.multi_reduction <add>, %reduce_sum3A_111, %reduce_sum3A_112 [1, 2] : vector<1x512x128xf32> to vector<1xf32>
    %reduce_sum3A_114 = vector.shape_cast %reduce_sum3A_113 : vector<1xf32> to vector<1x1x1xf32>
    %reduce_sum3A_115 = vector.extract %reduce_sum3A_114[0, 0, 0] : f32 from vector<1x1x1xf32>
    %get3A_116 = arith.constant 3 : index
    %get3A_117 = arith.constant 0 : index
    %get3A_118 = arith.constant 0 : index
    %get3A_119 = vector.load %arg2[%get3A_116, %get3A_117, %get3A_118] : memref<4x32x128xf32, #tpu.memory_space<vmem>>, vector<1x32x128xf32>
    %get3A_120 = vector.shape_cast %get3A_119 : vector<1x32x128xf32> to vector<32x128xf32>
    %reduce_sum3A_121 = vector.shape_cast %get3A_120 : vector<32x128xf32> to vector<1x32x128xf32>
    %reduce_sum3A_122 = arith.constant dense<0.000000e+00> : vector<1xf32>
    %reduce_sum3A_123 = vector.multi_reduction <add>, %reduce_sum3A_121, %reduce_sum3A_122 [1, 2] : vector<1x32x128xf32> to vector<1xf32>
    %reduce_sum3A_124 = vector.shape_cast %reduce_sum3A_123 : vector<1xf32> to vector<1x1x1xf32>
    %reduce_sum3A_125 = vector.extract %reduce_sum3A_124[0, 0, 0] : f32 from vector<1x1x1xf32>
    %mul3A_126 = arith.constant 1.600000e+01 : f32
    %mul3A_127 = arith.mulf %reduce_sum3A_125, %mul3A_126 : f32
    %div3A_128 = arith.divf %reduce_sum3A_115, %mul3A_127 : f32
    %add3A_129 = arith.addf %add3A_95, %div3A_128 : f32
    %div3A_130 = arith.constant 4.000000e+00 : f32
    %div3A_131 = arith.divf %add3A_129, %div3A_130 : f32
    %swap3A = arith.constant 0 : index
    %swap3A_132 = arith.constant 0 : index
    %swap3A_133 = memref.load %arg3[%swap3A, %swap3A_132] : memref<1x1xf32, #tpu.memory_space<smem>>
    memref.store %div3A_131, %arg3[%swap3A, %swap3A_132] : memref<1x1xf32, #tpu.memory_space<smem>>
    return
  }
}

</mosaic_0001>

<sc_bundles>
// kernel: kernel.4.cloned.1.call-start
scs
__scs_entry_jumppad:
0x0: {  	(pc) =	sbr.rel $0x88, $3  }
0x1: {  	(tag) =	ssettag $0x0;
	lr =	simm.s32 $0x1  }
0x2: {  	[smem:$0x3F9D] =	sst lr;
	_ =	strace $0xD0000000  }
0x3: {  	_ = 	snop  }
0x4: {  	_ = 	snop  }
0x5: {  	_ = 	snop  }
0x6: {  	_ = 	snop  }
0x7: {  	_ = 	snop  }
__scs_overlays_trampoline_lowered:
0x8: {  	[smem:$0x3FAC] =	sst s0  }
0x9: {  	[smem:$0x3FAD] =	sst s1  }
0xa: {  	[smem:$0x3FAE] =	sst s2  }
0xb: {  	[smem:$0x3FAF] =	sst s3  }
0xc: {  	[smem:$0x3FB0] =	sst s4  }
0xd: {  	[smem:$0x3FB1] =	sst s5  }
0xe: {  	[smem:$0x3FB2] =	sst s6  }
0xf: {  	[smem:$0x3FB3] =	sst s7  }
0x10: {  	[smem:$0x3FB4] =	sst s8  }
0x11: {  	[smem:$0x3FB5] =	sst s9;
	s0 =	simm.s32 @!p0 $0x0  }
0x12: {  	s1 =	sld [smem:$0x3F9B];
	s0 =	simm.s32 @p0 $0x1  }
0x13: {  	[smem:$0x3FB6] =	sst s0;
	s0 =	simm.s32 @!p1 $0x0  }
0x14: {  	s2 =	sld [smem:$0x3F9A];
	s0 =	simm.s32 @p1 $0x1  }
0x15: {  	[smem:$0x3FB7] =	sst s0;
	s0 =	simm.s32 @!p2 $0x0  }
0x16: {  	s3 =	sld [smem:$0x3FDB];
	s0 =	simm.s32 @p2 $0x1  }
0x17: {  	s4 =	simm.s32 $0x1BF5;
	[smem:$0x3FB9] =	sst s0  }
0x18: {  	s0 =	sld [smem:$0x3F9C];
	_ =	swait.ge [sflag:s4], $0x0  }
0x19: {  	s7 =	sld [smem:$0x3F9D]  }
0x1a: {  	s8 =	sadd.s32 $0xFFFFE003, lr  }
0x1b: {  	s9 =	sadd.s32 $0xFFFFFEF7, lr;
	s5 =	simm.s32 $0xFFFFFFFF;
	p2 =	slt.u32 s8, $0xFFFFF086  }
0x1c: {  	p1 =	slt.u32 s9, $0xF7A;
	s5 =	simm.s32 @!p2 $0x0  }
0x1d: {  	s5 =	simm.s32 @p1 $0x1;
	p0 =	seq.s32 s7, s2  }
0x1e: {  	s7 =	smul.u32 @!p0 $0xF7A, s2;
	p2 =	seq.s32 @!p0 s5, $0x0  }
0x1f: {  	s9 =	smul.u32 $0xF7A, s1;
	s8 =	simm.s32 @!p0 $0x1BF5;
	p2 =	por !p2, p0  }
0x20: {  	[sflag:s8] =	ssyncset.s32 @!p0 $0xFFFFF086;
	s6 =	sadd.s32 @!p0 s3, s7;
	s7 =	simm.s32 @!p0 $0x108  }
0x21: {  	s3 =	sadd.s32 s3, s9;
	s6 =	sadd.s32 @!p0 $0x88, s6;
	s7 =	simm.s32 @p2 $0x1082  }
0x22: {  	[simem:s7], [sflag:s8] =	dma.local @!p0 [hbm:s6], $0xF7A  }
0x23: {  	s9 =	sor.u32 $0xD0000000, s2;
	s6 =	simm.s32 $0x108;
	_ =	swait.ge @!p0 [sflag:s8], $0x0  }
0x24: {  	s3 =	sadd.s32 $0x88, s3;
	s6 =	simm.s32 @!p1 $0x1082;
	[sflag:s4] =	ssyncset.s32 $0xFFFFF086  }
0x25: {  	[simem:s6], [sflag:s4] =	dma.local [hbm:s3], $0xF7A  }
0x26: {  	[smem:$0x3F9D] =	sst s1;
	(tag) =	ssettag s2;
	_ =	strace s9  }
0x27: {  	s1 =	sld [smem:$0x3FAD]  }
0x28: {  	s2 =	sld [smem:$0x3FAE]  }
0x29: {  	s4 =	sld [smem:$0x3FB0]  }
0x2a: {  	p0 =	seq.s32 s5, $0x0;
	s5 =	sld [smem:$0x3FB1]  }
0x2b: {  	s6 =	sld [smem:$0x3FB2]  }
0x2c: {  	s7 =	sld [smem:$0x3FB3]  }
0x2d: {  	s3 =	simm.s32 $0x108;
	s8 =	sld [smem:$0x3FB4]  }
0x2e: {  	s3 =	simm.s32 @!p0 $0x1082;
	s9 =	sld [smem:$0x3FB5]  }
0x2f: {  	lr =	sadd.s32 s0, s3;
	s0 =	sld [smem:$0x3FAC]  }
0x30: {  	s3 =	sld [smem:$0x3FAF]  }
0x31: {  	[smem:$0x3FB8] =	sst s10  }
0x32: {  	s10 =	sld [smem:$0x3FB6];
	_ =	sdelay $0x3  }
0x33: {  	p0 =	seq.s32 s10, $0x1;
	s10 =	sld [smem:$0x3FB8];
	_ =	sdelay $0x3  }
0x34: {  	[smem:$0x3FB8] =	sst s10  }
0x35: {  	s10 =	sld [smem:$0x3FB7];
	_ =	sdelay $0x3  }
0x36: {  	p1 =	seq.s32 s10, $0x1;
	s10 =	sld [smem:$0x3FB8];
	_ =	sdelay $0x3  }
0x37: {  	[smem:$0x3FB8] =	sst s10  }
0x38: {  	s10 =	sld [smem:$0x3FB9]  }
0x39: {  	_ = 	snop;
	(pc) =	sbr.ind lr, $3  }
0x3a: {  	_ = 	snop  }
0x3b: {  	_ = 	snop  }
0x3c: {  	p2 =	seq.s32 s10, $0x1;
	s10 =	sld [smem:$0x3FB8]  }
0x3d: {  	_ =	shalt  }
0x3e: {  	_ =	shalt  }
0x3f: {  	_ =	shalt  }
0x40: {  	_ =	shalt  }
0x41: {  	_ =	shalt  }
0x42: {  	_ =	shalt  }
0x43: {  	_ =	shalt  }
0x44: {  	_ =	shalt  }
0x45: {  	_ =	shalt  }
0x46: {  	_ =	shalt  }
0x47: {  	_ =	shalt  }
0x48: {  	_ =	shalt  }
0x49: {  	_ =	shalt  }
0x4a: {  	_ =	shalt  }
0x4b: {  	_ =	shalt  }
0x4c: {  	_ =	shalt  }
0x4d: {  	_ =	shalt  }
0x4e: {  	_ =	shalt  }
0x4f: {  	_ =	shalt  }
0x50: {  	_ =	shalt  }
0x51: {  	_ =	shalt  }
0x52: {  	_ =	shalt  }
0x53: {  	_ =	shalt  }
0x54: {  	_ =	shalt  }
0x55: {  	_ =	shalt  }
0x56: {  	_ =	shalt  }
0x57: {  	_ =	shalt  }
0x58: {  	_ =	shalt  }
0x59: {  	_ =	shalt  }
0x5a: {  	_ =	shalt  }
0x5b: {  	_ =	shalt  }
0x5c: {  	_ =	shalt  }
0x5d: {  	_ =	shalt  }
0x5e: {  	_ =	shalt  }
0x5f: {  	_ =	shalt  }
0x60: {  	_ =	shalt  }
0x61: {  	_ =	shalt  }
0x62: {  	_ =	shalt  }
0x63: {  	_ =	shalt  }
0x64: {  	_ =	shalt  }
0x65: {  	_ =	shalt  }
0x66: {  	_ =	shalt  }
0x67: {  	_ =	shalt  }
0x68: {  	_ =	shalt  }
0x69: {  	_ =	shalt  }
0x6a: {  	_ =	shalt  }
0x6b: {  	_ =	shalt  }
0x6c: {  	_ =	shalt  }
0x6d: {  	_ =	shalt  }
0x6e: {  	_ =	shalt  }
0x6f: {  	_ =	shalt  }
0x70: {  	_ =	shalt  }
0x71: {  	_ =	shalt  }
0x72: {  	_ =	shalt  }
0x73: {  	_ =	shalt  }
0x74: {  	_ =	shalt  }
0x75: {  	_ =	shalt  }
0x76: {  	_ =	shalt  }
0x77: {  	_ =	shalt  }
0x78: {  	_ =	shalt  }
0x79: {  	_ =	shalt  }
0x7a: {  	_ =	shalt  }
0x7b: {  	_ =	shalt  }
0x7c: {  	_ =	shalt  }
0x7d: {  	_ =	shalt  }
0x7e: {  	_ =	shalt  }
0x7f: {  	_ =	shalt  }
0x80: {  	_ =	shalt  }
0x81: {  	_ =	shalt  }
0x82: {  	_ =	shalt  }
0x83: {  	_ =	shalt  }
0x84: {  	_ =	shalt  }
0x85: {  	_ =	shalt  }
0x86: {  	_ =	shalt  }
0x87: {  	_ =	shalt  }
.Lfunc_end0:
.L_simem_size_0:
called_computation_lowered:
.L_overlay_start_0:
0x88: {  	s2 =	sld [smem:$0x3FD9]  }
0x89: {  	s3 =	sld [smem:$0x3FFE];
	_ =	sdelay $0x1  }
0x8a: {  	s1 =	srdreg.scid  }
0x8b: {  	s0 =	sand.u32 $0x1, s1  }
0x8c: {  	s16 =	sshll.u32 s0, $0xA;
	s2 =	sadd.s32 s3, s2  }
0x8d: {  	s2 =	sadd.s32 s2, s16  }
0x8e: {  	[smem:$0x3FC4] =	sst s2  }
0x8f: {  	_ = 	snop  }
0x90: {  	(tm) =	ssettm $0x1  }
0x91: {  	s17 =	sld [smem:$0x3FFB];
	_ =	sdelay $0x3  }
0x92: {  	_ =	strace s17  }
0x93: {  	s2 =	sld [smem:$0x3FFC];
	_ =	sdelay $0x3  }
0x94: {  	_ =	strace s2  }
0x95: {  	s2 =	sld [smem:$0x3FFD];
	_ =	sdelay $0x3  }
0x96: {  	_ =	strace s2  }
0x97: {  	_ =	strace $0x8FFFFFFF  }
0x98: {  	s18 =	sld [smem:$0x3FDB];
	_ =	sdelay $0x1  }
0x99: {  	s19 =	simm.s32 $_scs_section_size  }
0x9a: {  	s4 =	simm.s32 $_size__tile_overlayer_lowered;
	s5 =	simm.s32 $_tile_overlayer_lowered  }
0x9b: {  	s22 =	simm.s32 $0x1BFF;
	s21 =	sshll.u32 s5, $0x1;
	s2 =	sadd.s32 s19, s18  }
0x9c: {  	s6 =	simm.s32 $0x0;
	s20 =	sshll.u32 s4, $0x1;
	s4 =	sadd.s32 s21, s2  }
0x9d: {  	[timem:s6], [sflag:s22] =	dma.local [hbm:s4], s20  }
0x9e: {  	_ =	swait.ge [sflag:s22], s20  }
0x9f: {  	s3 =	ssub.s32 $0x0, s20;
	[sflag:s22] =	ssyncset.done $0x0  }
0xa0: {  	[sflag:s22] =	ssyncadd.s32 s3;
	_ =	sdelay $0x1  }
0xa1: {  	s23 =	simm.s32 $0x1B8B  }
0xa2: {  	_ =	swait.ge [sflag:s23], $0x1  }
0xa3: {  	[sflag:s23] =	ssyncset.done $0x0  }
0xa4: {  	s25 =	simm.s32 $0x1B8E;
	s24 =	sld [smem:$0x3FFE];
	[sflag:s23] =	ssyncadd.s32 $0xFFFFFFFF  }
0xa5: {  	s26 =	simm.s32 $execute0_lowered;
	[smem:$0x3FD2] =	sst s25  }
0xa6: {  	s4 =	sshll.u32 s26, $0x1;
	_ =	strace $0x80000046;
	[dreg:$0x1] =	wrdreg $0xFFFFFFFF  }
0xa7: {  	s28 =	simm.s32 $_size_execute0_lowered;
	s2 =	sadd.s32 s2, s4;
	[dreg:$0x0] =	wrdreg $0x0  }
0xa8: {  	s4 =	sshll.u32 s28, $0x1;
	[dreg:$0x2] =	wrdreg s2  }
0xa9: {  	[dreg:$0x3] =	wrdreg s4  }
0xaa: {  	[dreg:$0x4] =	wrdreg $0xC0  }
0xab: {  	_ =	task [dreg:s6], $0x5FFFF  }
0xac: {  	[dreg:$0x1] =	wrdreg $0xFFFFFFFF  }
0xad: {  	[dreg:$0x0] =	wrdreg $0x60  }
0xae: {  	[dreg:$0x2] =	wrdreg s24  }
0xaf: {  	[dreg:$0x3] =	wrdreg $0x9  }
0xb0: {  	_ =	task.clear_ibuf [dreg:s6], $0x4FFFF;
	_ =	strace $0x90000046  }
0xb1: {  	s29 =	simm.s32 $0x9;
	_ =	strace $0x80000048  }
0xb2: {  	_ =	swait.ge [sflag:s29], $0x1  }
0xb3: {  	[sflag:s29] =	ssyncadd.s32 $0xFFFFFFFF  }
0xb4: {  	_ =	strace $0x90000048  }
0xb5: {  	_ =	sfence  }
0xb6: {  	s30 =	sld [smem:$0x0];
	_ =	sdelay $0x2  }
0xb7: {  	s31 =	sshll.u32 s1, $0xD;
	s1 =	sshrl.u32 s1, $0x2  }
0xb8: {  	s3 =	sand.u32 $0x4000, s31;
	s1 =	sadd.s32 s1, s30  }
0xb9: {  	s0 =	sor.u32 s3, s0;
	s1 =	sshll.u32 s1, $0x11  }
0xba: {  	s0 =	sor.u32 s1, s0  }
0xbb: {  	s0 =	sadd.s32 $0x8F2B, s0  }
0xbc: {  	[sflag:s0] =	ssyncadd.remote.s32 $0x1  }
0xbd: {  	_ =	sfence.sel $0xFFFF  }
0xbe: {  	[dreg:$0x0] =	wrdreg $0xFFFFFFFF;
	(pc) =	sbr.abs _section_cstart, $3  }
0xbf: {  	[dreg:$0x1] =	wrdreg $0xFFFFFFFF  }
0xc0: {  	_ =	task.clear_ibuf [dreg:s6], $0x2FFFF;
	_ =	strace $0x9FFFFFFF  }
0xc1: {  	(tm) =	ssettm $0x7FFFFFFF  }
tec
execute0_lowered:
.L_overlay_start_1:
0x0: {  	(tag) =	ssettag $0x1  }
0x1: {  	s0 =	rddreg [dreg:$0x0];
	s4 =	stileid.u32  }
0x2: {  	s1 =	srdreg.scid;
	s2 =	sshll.u32 s4, $0x1;
	s4 =	sshll.u32 s4, $0x7  }
0x3: {  	s6 =	simm.s32 $0x0;
	s1 =	sand.u32 $0x1, s1;
	s4 =	sand.u32 $0x600, s4  }
0x4: {  	[smem:$0x7FF] =	sst s6;
	s2 =	sor.u32 s1, s2;
	s4 =	sadd.s32 s4, s0  }
0x5: {  	_ =	strace $0x80000047;
	s1 =	ssub.s32 $0x2, s1;
	s24 =	sadd.s32 $0x2200, s4  }
0x6: {  	s3 =	sshll.u32 s2, $0x6;
	s25 =	sadd.s32 $0x2A00, s4;
	[dreg:$0x2] =	wrdreg s24  }
0x7: {  	s3 =	sadd.s32 s3, s0;
	s26 =	sadd.s32 $0x3200, s4;
	[dreg:$0x3] =	wrdreg s25  }
0x8: {  	s2 =	sshll.u32 s2, $0xD;
	[dreg:$0x4] =	wrdreg s26;
	s28 =	sadd.s32 $0xA00, s3  }
0x9: {  	s5 =	sshrl.u32 s1, $0x1;
	s29 =	sadd.s32 $0x1200, s3;
	[dreg:$0x5] =	wrdreg s28  }
0xa: {  	s0 =	sadd.s32 s2, s0;
	s30 =	sadd.s32 $0x1A00, s3;
	[dreg:$0x6] =	wrdreg s29  }
0xb: {  	s1 =	ssub.s32 s1, s5;
	s0 =	sadd.s32 $0x3A00, s0;
	[dreg:$0x7] =	wrdreg s30  }
0xc: {  	s31 =	smax.u32 s1, $0x1;
	[dreg:$0x8] =	wrdreg s0  }
0xd: {  	s2 =	simm.s32 $0x1;
	s1 =	simm.s32 $0x0;
	[dreg:$0x9] =	wrdreg s31  }
.LBB2_1:
0xe: {  	[dreg:$0xa] =	wrdreg s1  }
0xf: {  	s0 =	rddreg [dreg:$0x2];
	s21 =	simm.s32 $0x600  }
0x10: {  	[tilespmem:s21], [sflag:$0x1] =	stream.linear.gather [hbm4b:s0+s6], $0x1000, $0x38;
	[tilespmem:$0x14600] =	vst v63  }
0x11: {  	_ =	swait.ge [sflag:s2], $0x1000  }
0x12: {  	[sflag:s2] =	ssyncset.done $0x0  }
0x13: {  	s23 =	simm.s32 $0x1600;
	s22 =	rddreg [dreg:$0x3];
	[sflag:s2] =	ssyncadd.s32 $0xFFFFF000  }
0x14: {  	[tilespmem:s23], [sflag:$0x1] =	stream.linear.gather [hbm4b:s22+s6], $0x1000, $0x38;
	[tilespmem:$0x14600] =	vst v63  }
0x15: {  	_ =	swait.ge [sflag:s2], $0x1000  }
0x16: {  	[sflag:s2] =	ssyncset.done $0x0  }
0x17: {  	s25 =	simm.s32 $0x2600;
	s24 =	rddreg [dreg:$0x4];
	[sflag:s2] =	ssyncadd.s32 $0xFFFFF000  }
0x18: {  	[tilespmem:s25], [sflag:$0x1] =	stream.linear.gather [hbm4b:s24+s6], $0x1000, $0x38;
	[tilespmem:$0x14600] =	vst v63  }
0x19: {  	_ =	swait.ge [sflag:s2], $0x1000  }
0x1a: {  	[sflag:s2] =	ssyncset.done $0x0  }
0x1b: {  	s26 =	rddreg [dreg:$0x5];
	[sflag:s2] =	ssyncadd.s32 $0xFFFFF000  }
0x1c: {  	[tilespmem:s6], [sflag:$0x1] =	stream.linear.gather [hbm4b:s26+s6], $0x200, $0x38;
	[tilespmem:$0x14600] =	vst v63  }
0x1d: {  	_ =	swait.ge [sflag:s2], $0x200  }
0x1e: {  	[sflag:s2] =	ssyncset.done $0x0  }
0x1f: {  	s29 =	simm.s32 $0x200;
	s28 =	rddreg [dreg:$0x6];
	[sflag:s2] =	ssyncadd.s32 $0xFFFFFE00  }
0x20: {  	[tilespmem:s29], [sflag:$0x1] =	stream.linear.gather [hbm4b:s28+s6], $0x200, $0x38;
	[tilespmem:$0x14600] =	vst v63  }
0x21: {  	_ =	swait.ge [sflag:s2], $0x200  }
0x22: {  	[sflag:s2] =	ssyncset.done $0x0  }
0x23: {  	s31 =	simm.s32 $0x400;
	s30 =	rddreg [dreg:$0x7];
	[sflag:s2] =	ssyncadd.s32 $0xFFFFFE00  }
0x24: {  	[tilespmem:s31], [sflag:$0x1] =	stream.linear.gather [hbm4b:s30+s6], $0x200, $0x38;
	[tilespmem:$0x14600] =	vst v63  }
0x25: {  	_ =	swait.ge [sflag:s2], $0x200  }
0x26: {  	[sflag:s2] =	ssyncset.done $0x0  }
0x27: {  	s0 =	simm.s32 $0x0;
	[sflag:s2] =	ssyncadd.s32 $0xFFFFFE00  }
0x28: {  	v0 =	vld [tilespmem:s0+$0x600]  }
0x29: {  	v1 =	vld [tilespmem:s0+$0x1600]  }
0x2a: {  	v2 =	vld [tilespmem:s0+$0x2600];
	_ =	sdelay $0x2  }
0x2b: {  	s1 =	simm.s32 $0x10  }
0x2c: {  	v3 =	vmul.f32 v0, v0;
	v1 =	vmul.f32 v1, v1;
	v0 =	vld [tilespmem:s1+$0x600]  }
0x2d: {  	v4 =	vmul.f32 v2, v2;
	v2 =	vld [tilespmem:s1+$0x1600]  }
0x2e: {  	v3 =	vadd.f32 v1, v3  }
0x2f: {  	v1 =	vld [tilespmem:s1+$0x2600]  }
0x30: {  	s2 =	simm.s32 $0x80;
	v3 =	vadd.f32 v4, v3  }
.LBB2_2:
0x31: {  	s3 =	sshra.s32 s2, $0x2;
	p0 =	sne.s32 s2, $0x3FC0  }
.Ltmp0:
0x32: {  	s2 =	sadd.s32 $0x40, s2;
	v4 =	vmul.f32 v0, v0;
	v0 =	vld [tilespmem:s3+$0x600];
	v5 =	vmul.f32 v2, v2;
	[tilespmem:s0+$0x3600] =	vst v3;
	(pc) =	sbr.rel @p0 .LBB2_2-.Ltmp0, $4  }
0x33: {  	s0 =	smov.u32 s1;
	s1 =	smov.u32 s3;
	v2 =	vld [tilespmem:s3+$0x1600]  }
0x34: {  	v3 =	vadd.f32 v5, v4;
	v4 =	vmul.f32 v1, v1  }
0x35: {  	v1 =	vld [tilespmem:s1+$0x2600]  }
0x36: {  	v3 =	vadd.f32 v4, v3  }
0x37: {  	_ = 	snop  }
0x38: {  	v0 =	vmul.f32 v0, v0;
	v2 =	vmul.f32 v2, v2;
	_ =	sdelay $0x1  }
0x39: {  	v0 =	vadd.f32 v2, v0;
	v1 =	vmul.f32 v1, v1;
	_ =	sdelay $0x1  }
0x3a: {  	v0 =	vadd.f32 v1, v0  }
0x3b: {  	[tilespmem:s0+$0x3600] =	vst v3  }
0x3c: {  	s19 =	simm.s32 $0x0;
	[tilespmem:s1+$0x3600] =	vst v0  }
.LBB2_4:
0x3d: {  	s0 =	sshll.u32 s19, $0x4  }
0x3e: {  	v2 =	vld [tilespmem:s0+$0x0]  }
0x3f: {  	v1 =	vld [tilespmem:s0+$0x200]  }
0x40: {  	v0 =	vld [tilespmem:s0+$0x400];
	_ =	sdelay $0x2  }
0x41: {  	(v2sf) =	vpush v2, $0x0  }
0x42: {  	(v2sf) =	vpush v1, $0x0  }
0x43: {  	(v2sf) =	vpush v0, $0x0  }
0x44: {  	(v2sf) =	vpush v2, $0x1  }
0x45: {  	(v2sf) =	vpush v1, $0x1  }
0x46: {  	(v2sf) =	vpush v0, $0x1  }
0x47: {  	(v2sf) =	vpush v2, $0x2  }
0x48: {  	(v2sf) =	vpush v1, $0x2  }
0x49: {  	(v2sf) =	vpush v0, $0x2  }
0x4a: {  	(v2sf) =	vpush v2, $0x3  }
0x4b: {  	(v2sf) =	vpush v1, $0x3  }
0x4c: {  	(v2sf) =	vpush v0, $0x3  }
0x4d: {  	(v2sf) =	vpush v2, $0x4;
	_ =	sdelay $0x2  }
0x4e: {  	s30 =	spop (v2sf)  }
0x4f: {  	s29 =	spop (v2sf)  }
0x50: {  	(v2sf) =	vpush v1, $0x4;
	s0 =	sadd.f32 s30, s30;
	s25 =	spop (v2sf)  }
0x51: {  	s2 =	sadd.f32 s29, s29;
	s21 =	spop (v2sf)  }
0x52: {  	(v2sf) =	vpush v0, $0x4;
	s3 =	sadd.f32 s25, s25;
	s22 =	spop (v2sf)  }
0x53: {  	(v2sf) =	vpush v2, $0x5;
	s5 =	sadd.f32 s21, s21;
	s23 =	spop (v2sf)  }
0x54: {  	(v2sf) =	vpush v1, $0x5;
	s9 =	sadd.f32 s22, s22;
	s24 =	spop (v2sf)  }
0x55: {  	(v2sf) =	vpush v0, $0x5;
	s10 =	sadd.f32 s23, s23;
	s26 =	spop (v2sf)  }
0x56: {  	(v2sf) =	vpush v2, $0x6;
	s14 =	sadd.f32 s24, s24;
	s28 =	spop (v2sf)  }
0x57: {  	(v2sf) =	vpush v1, $0x6;
	s31 =	sadd.f32 s26, s26;
	s20 =	spop (v2sf)  }
0x58: {  	(v2sf) =	vpush v0, $0x6;
	s18 =	sadd.f32 s28, s28;
	s1 =	spop (v2sf)  }
0x59: {  	s12 =	sadd.f32 s20, s20;
	s4 =	spop (v2sf)  }
0x5a: {  	(v2sf) =	vpush v2, $0x7;
	[dreg:$0x16] =	wrdreg s1;
	s13 =	spop (v2sf)  }
0x5b: {  	[dreg:$0x14] =	wrdreg s13  }
0x5c: {  	v14 =	vmov s0;
	s0 =	sadd.f32 s13, s13;
	s13 =	simm.s32 $0x0  }
0x5d: {  	(v2sf) =	vpush v1, $0x7;
	s1 =	sadd.f32 s1, s1;
	v27 =	vld [tilespmem:s13+$0x2600]  }
0x5e: {  	[dreg:$0x15] =	wrdreg s4;
	v28 =	vld [tilespmem:s13+$0x600]  }
0x5f: {  	v10 =	vmov s2;
	v16 =	vmov s3;
	s11 =	sadd.f32 s4, s4;
	s17 =	spop (v2sf);
	v29 =	vld [tilespmem:s13+$0x1600]  }
0x60: {  	v9 =	vmov s5;
	v11 =	vmov s9;
	(v2sf) =	vpush v0, $0x7;
	[dreg:$0x13] =	wrdreg s17  }
0x61: {  	v6 =	vmov s10;
	v15 =	vmov s14;
	v12 =	vmov s31;
	s8 =	spop (v2sf);
	s2 =	sadd.f32 s17, s17  }
0x62: {  	v18 =	vmov s18;
	v7 =	vmov s12;
	v5 =	vmov s1;
	s7 =	spop (v2sf);
	s17 =	sadd.f32 s8, s8  }
0x63: {  	[dreg:$0x12] =	wrdreg s8;
	s6 =	spop (v2sf);
	v20 =	vmov s2;
	v30 =	vmul.f32 v27, v16;
	v32 =	vmul.f32 v28, v14  }
0x64: {  	[dreg:$0x11] =	wrdreg s7;
	s16 =	spop (v2sf);
	v19 =	vmov s17;
	v33 =	vmul.f32 v27, v18;
	v34 =	vmul.f32 v29, v20  }
0x65: {  	v17 =	vmov s0;
	s1 =	sadd.f32 s7, s7;
	s15 =	spop (v2sf);
	v36 =	vmul.f32 v27, v19;
	v38 =	vmul.f32 v28, v15  }
0x66: {  	v4 =	vmov s11;
	s11 =	sadd.f32 s6, s6;
	s4 =	spop (v2sf);
	v40 =	vmul.f32 v28, v17;
	v43 =	vmul.f32 v29, v12  }
0x67: {  	v13 =	vmov s1;
	s8 =	sadd.f32 s15, s15;
	v44 =	vmul.f32 v29, v11;
	v46 =	vmul.f32 v28, v9;
	s3 =	spop (v2sf)  }
0x68: {  	v26 =	vmov s11;
	v47 =	vmul.f32 v29, v10;
	v48 =	vmul.f32 v27, v6;
	[dreg:$0xf] =	wrdreg s3  }
0x69: {  	v62 =	vmul.f32 v29, v26;
	s14 =	spop (v2sf);
	s18 =	sadd.f32 s3, s3;
	v25 =	vmov s8;
	v38 =	vadd.f32 v43, v38  }
0x6a: {  	s3 =	smov.u32 s4;
	v63 =	vadd.f32 v44, v46;
	v46 =	vmul.f32 v28, v13;
	v32 =	vadd.f32 v47, v32;
	s7 =	sadd.f32 s14, s14  }
0x6b: {  	v45 =	vld [tilespmem:s13+$0x3600];
	s4 =	smov.u32 s16;
	v34 =	vadd.f32 v34, v40;
	s9 =	sadd.f32 s3, s3;
	v39 =	vmul.f32 v28, v25;
	v33 =	vadd.f32 v33, v38  }
0x6c: {  	s17 =	simm.s32 $0x10;
	s5 =	spop (v2sf);
	s12 =	sadd.f32 s4, s4;
	v23 =	vmov s18;
	v30 =	vadd.f32 v30, v32;
	v50 =	vadd.f32 v62, v46  }
0x6d: {  	v40 =	vld [tilespmem:s17+$0x600];
	s10 =	sadd.f32 s5, s5;
	v34 =	vadd.f32 v36, v34;
	v38 =	vadd.f32 v48, v63;
	v31 =	vmul.f32 v27, v23  }
0x6e: {  	v24 =	vmov s7;
	v22 =	vmov s9;
	v21 =	vmov s12  }
0x6f: {  	v37 =	vmul.f32 v28, v24;
	v8 =	vmov s10;
	v41 =	vmul.f32 v29, v22  }
0x70: {  	s16 =	spop (v2sf);
	v28 =	vmul.f32 v28, v7;
	v49 =	vsub.f32 v45, v33;
	v51 =	vmul.f32 v27, v21  }
0x71: {  	s2 =	sadd.f32 s16, s16;
	v30 =	vsub.f32 v45, v30;
	v42 =	vmul.f32 v29, v8;
	v29 =	vmul.f32 v29, v5  }
0x72: {  	v36 =	vld [tilespmem:s17+$0x2600];
	v38 =	vsub.f32 v45, v38;
	v33 =	vmul.f32 v40, v14;
	v54 =	vmul.f32 v40, v24  }
0x73: {  	v3 =	vmov s2;
	v55 =	vmul.f32 v40, v15;
	v56 =	vmul.f32 v40, v25  }
0x74: {  	v59 =	vmul.f32 v40, v13;
	v35 =	vmul.f32 v27, v3;
	v39 =	vadd.f32 v41, v39  }
0x75: {  	v27 =	vmul.f32 v27, v4;
	(xrf1) =	vsort.dscd.msk.f32 $0xffff, v49, v49;
	v28 =	vadd.f32 v29, v28  }
0x76: {  	v49 =	vmul.f32 v40, v9;
	v29 =	vsub.f32 v45, v34;
	v34 =	vld [tilespmem:s17+$0x1600];
	v31 =	vadd.f32 v31, v39  }
0x77: {  	v37 =	vadd.f32 v42, v37;
	v53 =	vmul.f32 v36, v18;
	v58 =	vmul.f32 v36, v21  }
0x78: {  	v39 =	vmul.f32 v36, v19;
	v27 =	vadd.f32 v27, v28;
	v31 =	vsub.f32 v45, v31  }
0x79: {  	v52 =	vadd.f32 v35, v37;
	v28 =	vadd.f32 v51, v50;
	v37 =	vmul.f32 v36, v3  }
0x7a: {  	v27 =	vsub.f32 v45, v27;
	(xrf1) =	vsort.dscd.msk.f32 $0xffff, v31, v31;
	v31 =	vmul.f32 v36, v23  }
0x7b: {  	v57 =	vmul.f32 v34, v26;
	v60 =	vmul.f32 v34, v22;
	(xrf1) =	vsort.dscd.msk.f32 $0xffff, v30, v30  }
0x7c: {  	v48 =	vmul.f32 v34, v12;
	v63 =	vmul.f32 v34, v11;
	(xrf1) =	vsort.dscd.msk.f32 $0xffff, v29, v29  }
0x7d: {  	v28 =	vsub.f32 v45, v28;
	v61 =	vmul.f32 v34, v8;
	v62 =	vmul.f32 v34, v10  }
0x7e: {  	v30 =	vmul.f32 v36, v16;
	v42 =	vadd.f32 v48, v55;
	v32 =	vadd.f32 v63, v49  }
0x7f: {  	v29 =	vmul.f32 v34, v20;
	v41 =	vadd.f32 v61, v54;
	v33 =	vadd.f32 v62, v33  }
0x80: {  	v34 =	vmul.f32 v34, v5;
	v44 =	vadd.f32 v57, v59;
	(xrf1) =	vsort.dscd.msk.f32 $0xffff, v27, v27  }
0x81: {  	v27 =	vmul.f32 v40, v17;
	(xrf1) =	vsort.dscd.msk.f32 $0xffff, v38, v38;
	v38 =	vadd.f32 v60, v56  }
0x82: {  	v35 =	vadd.f32 v53, v42;
	(xrf1) =	vsort.dscd.msk.f32 $0xffff, v28, v28;
	v28 =	vsub.f32 v45, v52;
	v52 =	vld [tilespmem:s17+$0x3600]  }
0x83: {  	v40 =	vmul.f32 v40, v7;
	v30 =	vadd.f32 v30, v33;
	v37 =	vadd.f32 v37, v41  }
0x84: {  	v60 =	vmul.f32 v36, v6;
	v55 =	vadd.f32 v58, v44;
	v27 =	vadd.f32 v29, v27  }
0x85: {  	v36 =	vmul.f32 v36, v4;
	v34 =	vadd.f32 v34, v40;
	v29 =	vadd.f32 v31, v38  }
0x86: {  	s18 =	simm.s32 $0x20;
	v32 =	vadd.f32 v60, v32;
	v27 =	vadd.f32 v39, v27  }
0x87: {  	v40 =	vld [tilespmem:s18+$0x1600];
	v34 =	vadd.f32 v36, v34;
	v61, _, _ =	vpop (xrf1);
	v62 =	vsub.f32 v52, v35  }
0x88: {  	v39 =	vld [tilespmem:s18+$0x600];
	v29 =	vsub.f32 v52, v29;
	v27 =	vsub.f32 v52, v27;
	v31, _, _ =	vpop (xrf1)  }
0x89: {  	v63 =	vimm.f32 $+Inf;
	(xrf1) =	vsort.dscd.msk.f32 $0xffff, v28, v28;
	v30 =	vsub.f32 v52, v30;
	v37 =	vsub.f32 v52, v37;
	v53, _, _ =	vpop (xrf1)  }
0x8a: {  	v54 =	vmin.f32 v63, v61;
	v57 =	vsub.f32 v52, v55;
	v32 =	vsub.f32 v52, v32;
	v28, _, _ =	vpop (xrf1)  }
0x8b: {  	(xrf1) =	vsort.dscd.msk.f32 $0xffff, v62, v62;
	v31 =	vmin.f32 v63, v31;
	v28 =	vmin.f32 v63, v28  }
0x8c: {  	v48 =	vmul.f32 v40, v26;
	v50 =	vmul.f32 v40, v8;
	(xrf1) =	vsort.ascd.msk.f32 $0xffff, v28, v28  }
0x8d: {  	v51 =	vmul.f32 v40, v12;
	v42 =	vmul.f32 v39, v14;
	(xrf1) =	vsort.ascd.msk.f32 $0xffff, v31, v31  }
0x8e: {  	v45 =	vmul.f32 v39, v24;
	v59 =	vmul.f32 v39, v15;
	v31, _, _ =	vpop (xrf1);
	(xrf1) =	vsort.ascd.msk.f32 $0xffff, v54, v54  }
0x8f: {  	v60 =	vmul.f32 v39, v25;
	v47 =	vmul.f32 v39, v17;
	v56, _, _ =	vpop (xrf1);
	(xrf1) =	vsort.dscd.msk.f32 $0xffff, v29, v29  }
0x90: {  	v62 =	vmul.f32 v40, v22;
	v45 =	vadd.f32 v50, v45;
	v28 =	vld [tilespmem:s18+$0x2600];
	v58, _, _ =	vpop (xrf1);
	(xrf1) =	vsort.dscd.msk.f32 $0xffff, v30, v30  }
0x91: {  	v38 =	vmin.f32 v63, v53;
	v29 =	vsub.f32 v52, v34;
	(xrf1) =	vsort.dscd.msk.f32 $0xffff, v27, v27  }
0x92: {  	v46 =	vadd.f32 v62, v60;
	v31 =	vmin.f32 v63, v31;
	v33 =	vmin.f32 v63, v56  }
0x93: {  	v56 =	vmul.f32 v39, v9;
	v30 =	vmin.f32 v63, v58;
	(xrf1) =	vsort.dscd.msk.f32 $0xffff, v29, v29  }
0x94: {  	v58 =	vmul.f32 v39, v13;
	v39 =	vmul.f32 v39, v7;
	(xrf1) =	vsort.dscd.msk.f32 $0xffff, v32, v32  }
0x95: {  	v36 =	vmul.f32 v28, v16;
	v41 =	vmul.f32 v28, v23;
	(xrf1) =	vsort.ascd.msk.f32 $0xffff, v33, v33  }
0x96: {  	v43 =	vmul.f32 v28, v18;
	v27 =	vmul.f32 v40, v20;
	(xrf1) =	vsort.ascd.msk.f32 $0xffff, v30, v30  }
0x97: {  	v61, _, _ =	vpop (xrf1);
	v44 =	vmul.f32 v28, v3;
	v52 =	vmul.f32 v28, v21;
	(xrf1) =	vsort.dscd.msk.f32 $0xffff, v57, v57  }
0x98: {  	v49 =	vld [tilespmem:s18+$0x3600];
	v32 =	vadd.f32 v51, v59;
	v33 =	vmin.f32 v63, v61;
	(xrf1) =	vsort.ascd.msk.f32 $0xffff, v38, v38  }
0x99: {  	v60 =	vmul.f32 v28, v6;
	v29 =	vmul.f32 v28, v19;
	v57, _, _ =	vpop (xrf1);
	(xrf1) =	vsort.ascd.msk.f32 $0xffff, v33, v33  }
0x9a: {  	v28 =	vmul.f32 v28, v4;
	v27 =	vadd.f32 v27, v47;
	v32 =	vadd.f32 v43, v32;
	v59, _, _ =	vpop (xrf1)  }
0x9b: {  	v41 =	vadd.f32 v41, v46;
	v63 =	vmul.f32 v40, v11;
	(xrf1) =	vsort.ascd.msk.f32 $0xffff, v31, v31;
	v61, _, _ =	vpop (xrf1)  }
0x9c: {  	v51 =	vadd.f32 v48, v58;
	v30 =	vmul.f32 v40, v10;
	v27 =	vadd.f32 v29, v27;
	v31, _, _ =	vpop (xrf1)  }
0x9d: {  	v40 =	vmul.f32 v40, v5;
	v34 =	vadd.f32 v63, v56;
	v63 =	vsub.f32 v49, v32;
	v62, _, _ =	vpop (xrf1)  }
0x9e: {  	v41 =	vsub.f32 v49, v41;
	v30 =	vadd.f32 v30, v42;
	(xrf1) =	vsort.dscd.msk.f32 $0xffff, v37, v37;
	v32, _, _ =	vpop (xrf1)  }
0x9f: {  	v54 =	vadd.f32 v60, v34;
	v34 =	vsub.f32 v49, v27;
	(xrf1) =	vsort.dscd.msk.f32 $0xffff, v63, v63;
	v53, _, _ =	vpop (xrf1)  }
0xa0: {  	v55 =	vmin.f32 v31, v57;
	v57 =	vadd.f32 v40, v39;
	v29 =	vmin.f32 v59, v53  }
0xa1: {  	s31 =	simm.s32 $0x30;
	v30 =	vadd.f32 v36, v30;
	v56 =	vmin.f32 v61, v62;
	v31, _, _ =	vpop (xrf1);
	(xrf1) =	vsort.ascd.msk.f32 $0xffff, v29, v29  }
0xa2: {  	v60 =	vadd.f32 v52, v51;
	v27 =	vld [tilespmem:s31+$0x2600];
	v28 =	vadd.f32 v28, v57;
	v58, _, _ =	vpop (xrf1);
	(xrf1) =	vsort.ascd.msk.f32 $0xffff, v56, v56  }
0xa3: {  	v62 =	vsub.f32 v49, v30;
	v30 =	vld [tilespmem:s31+$0x600];
	v29 =	vadd.f32 v44, v45;
	v59, _, _ =	vpop (xrf1);
	(xrf1) =	vsort.ascd.msk.f32 $0xffff, v55, v55  }
0xa4: {  	v33 =	vsub.f32 v49, v60;
	v37 =	vsub.f32 v49, v28;
	v28 =	vld [tilespmem:s31+$0x1600];
	v61, _, _ =	vpop (xrf1);
	(xrf1) =	vsort.dscd.msk.f32 $0xffff, v41, v41  }
0xa5: {  	v38 =	vsub.f32 v49, v54;
	v29 =	vsub.f32 v49, v29;
	v63, _, _ =	vpop (xrf1)  }
0xa6: {  	[dreg:$0x10] =	wrdreg s15;
	s15 =	smov.u32 s6;
	s9 =	simm.s32 $0x100;
	v35 =	vmin.f32 v59, v58;
	(xrf1) =	vsort.dscd.msk.f32 $0xffff, v62, v62;
	v36 =	vmin.f32 v61, v63;
	v39, _, _ =	vpop (xrf1)  }
.LBB2_5:
0xa7: {  	p0 =	sne.s32 s9, $0x3FC0;
	v40 =	vmul.f32 v27, v16;
	v41 =	vmul.f32 v27, v23;
	v32 =	vmin.f32 v39, v32;
	v39, _, _ =	vpop (xrf1);
	s10 =	smov.u32 s9;
	s9 =	sadd.s32 $0x40, s9  }
0xa8: {  	v43 =	vmul.f32 v27, v18;
	v42 =	vmul.f32 v30, v14;
	(xrf1) =	vsort.dscd.msk.f32 $0xffff, v34, v34  }
0xa9: {  	v44 =	vmul.f32 v27, v3;
	v34 =	vmul.f32 v28, v20;
	(xrf1) =	vsort.dscd.msk.f32 $0xffff, v37, v37;
	v37, _, _ =	vpop (xrf1)  }
0xaa: {  	v45 =	vmul.f32 v27, v19;
	v46 =	vmul.f32 v30, v24;
	(xrf1) =	vsort.dscd.msk.f32 $0xffff, v38, v38  }
0xab: {  	v47 =	vmul.f32 v30, v25;
	v38 =	vmul.f32 v30, v15;
	v31 =	vmin.f32 v37, v31  }
0xac: {  	v48 =	vmul.f32 v28, v26;
	v37 =	vmul.f32 v30, v17;
	(xrf1) =	vsort.ascd.msk.f32 $0xffff, v35, v35;
	v35, _, _ =	vpop (xrf1)  }
0xad: {  	v49 =	vmul.f32 v28, v22;
	v50 =	vmul.f32 v28, v8;
	v51, _, _ =	vpop (xrf1);
	(xrf1) =	vsort.ascd.msk.f32 $0xffff, v36, v36  }
0xae: {  	v56 =	vmul.f32 v28, v12;
	v36 =	vmul.f32 v28, v10;
	v35 =	vmin.f32 v39, v35  }
0xaf: {  	v47 =	vadd.f32 v49, v47;
	v39 =	vmul.f32 v28, v11;
	(xrf1) =	vsort.dscd.msk.f32 $0xffff, v33, v33;
	v33, _, _ =	vpop (xrf1)  }
0xb0: {  	v54 =	vmul.f32 v27, v21;
	v53 =	vmul.f32 v30, v9;
	v49 =	vld [tilespmem:s31+$0x3600];
	(xrf1) =	vsort.ascd.msk.f32 $0xffff, v32, v32;
	v55, _, _ =	vpop (xrf1)  }
0xb1: {  	v56 =	vadd.f32 v56, v38;
	v38 =	vmul.f32 v30, v13;
	v52, _, _ =	vpop (xrf1);
	(xrf1) =	vsort.ascd.msk.f32 $0xffff, v35, v35  }
0xb2: {  	v46 =	vadd.f32 v50, v46;
	v35 =	vadd.f32 v39, v53;
	v39 =	vmul.f32 v27, v6;
	v50, _, _ =	vpop (xrf1)  }
0xb3: {  	v36 =	vadd.f32 v36, v42;
	v42 =	vadd.f32 v43, v56;
	(xrf1) =	vsort.ascd.msk.f32 $0xffff, v31, v31  }
0xb4: {  	v30 =	vmul.f32 v30, v7;
	v34 =	vadd.f32 v34, v37;
	v43 =	vadd.f32 v41, v47;
	v32, _, _ =	vpop (xrf1)  }
0xb5: {  	v28 =	vmul.f32 v28, v5;
	v36 =	vadd.f32 v40, v36;
	v37 =	vsub.f32 v49, v42  }
0xb6: {  	v38 =	vadd.f32 v48, v38;
	v40 =	vsub.f32 v49, v43;
	v41, _, _ =	vpop (xrf1);
	(xrf1) =	vsort.dscd.msk.f32 $0xffff, v29, v29  }
0xb7: {  	v39 =	vadd.f32 v39, v35;
	v29 =	vmin.f32 v52, v51;
	(xrf1) =	vsort.dscd.msk.f32 $0xffff, v37, v37;
	v31, _, _ =	vpop (xrf1)  }
0xb8: {  	v34 =	vadd.f32 v45, v34;
	v42 =	vmin.f32 v55, v50;
	v33 =	vmin.f32 v33, v41;
	v41, _, _ =	vpop (xrf1)  }
0xb9: {  	v28 =	vadd.f32 v28, v30;
	s31 =	sshra.s32 s10, $0x2;
	v37 =	vmul.f32 v27, v4;
	(xrf1) =	vsort.ascd.msk.f32 $0xffff, v33, v33  }
.Ltmp1:
0xba: {  	v34 =	vsub.f32 v49, v34;
	v33 =	vadd.f32 v44, v46;
	v27 =	vld [tilespmem:s31+$0x2600];
	(xrf1) =	vsort.ascd.msk.f32 $0xffff, v42, v42;
	v35, _, _ =	vpop (xrf1);
	(pc) =	sbr.rel @p0 .LBB2_5-.Ltmp1, $4  }
0xbb: {  	v38 =	vadd.f32 v54, v38;
	v37 =	vadd.f32 v37, v28;
	v30 =	vld [tilespmem:s31+$0x600];
	(xrf1) =	vsort.ascd.msk.f32 $0xffff, v29, v29;
	v42, _, _ =	vpop (xrf1)  }
0xbc: {  	v36 =	vsub.f32 v49, v36;
	v29 =	vsub.f32 v49, v33;
	v28 =	vld [tilespmem:s31+$0x1600];
	(xrf1) =	vsort.dscd.msk.f32 $0xffff, v40, v40  }
0xbd: {  	v37 =	vsub.f32 v49, v37;
	v33 =	vsub.f32 v49, v38;
	v35 =	vmin.f32 v35, v41;
	v40, _, _ =	vpop (xrf1)  }
0xbe: {  	v38 =	vsub.f32 v49, v39;
	(xrf1) =	vsort.dscd.msk.f32 $0xffff, v36, v36;
	v36 =	vmin.f32 v42, v40;
	v39, _, _ =	vpop (xrf1)  }
0xbf: {  	v16 =	vmul.f32 v27, v16  }
0xc0: {  	(xrf1) =	vsort.dscd.msk.f32 $0xffff, v34, v34;
	v23 =	vmul.f32 v27, v23;
	v18 =	vmul.f32 v27, v18  }
0xc1: {  	v19 =	vmul.f32 v27, v19;
	v21 =	vmul.f32 v27, v21  }
0xc2: {  	v6 =	vmul.f32 v27, v6;
	v4 =	vmul.f32 v27, v4  }
0xc3: {  	v32 =	vmin.f32 v39, v32;
	v14 =	vmul.f32 v30, v14;
	v15 =	vmul.f32 v30, v15  }
0xc4: {  	v51, _, _ =	vpop (xrf1);
	(xrf1) =	vsort.dscd.msk.f32 $0xffff, v37, v37;
	v25 =	vmul.f32 v30, v25;
	v17 =	vmul.f32 v30, v17  }
0xc5: {  	v9 =	vmul.f32 v30, v9;
	v13 =	vmul.f32 v30, v13;
	v52, _, _ =	vpop (xrf1);
	(xrf1) =	vsort.dscd.msk.f32 $0xffff, v38, v38  }
0xc6: {  	v7 =	vmul.f32 v30, v7;
	v22 =	vmul.f32 v28, v22;
	(xrf1) =	vsort.ascd.msk.f32 $0xffff, v35, v35  }
0xc7: {  	v12 =	vmul.f32 v28, v12;
	v11 =	vmul.f32 v28, v11;
	v53, _, _ =	vpop (xrf1);
	(xrf1) =	vsort.ascd.msk.f32 $0xffff, v36, v36  }
0xc8: {  	v20 =	vmul.f32 v28, v20;
	v10 =	vmul.f32 v28, v10;
	v22 =	vadd.f32 v22, v25;
	v25 =	vld [tilespmem:s31+$0x3600];
	v54, _, _ =	vpop (xrf1)  }
0xc9: {  	v5 =	vmul.f32 v28, v5;
	v12 =	vadd.f32 v12, v15;
	(xrf1) =	vsort.dscd.msk.f32 $0xffff, v33, v33;
	v55, _, _ =	vpop (xrf1)  }
0xca: {  	v31 =	vmin.f32 v52, v31;
	v34 =	vmin.f32 v51, v53;
	(xrf1) =	vsort.ascd.msk.f32 $0xffff, v32, v32;
	v15, _, _ =	vpop (xrf1)  }
0xcb: {  	v9 =	vadd.f32 v11, v9;
	v12 =	vadd.f32 v18, v12;
	(xrf1) =	vsort.ascd.msk.f32 $0xffff, v34, v34;
	v11, _, _ =	vpop (xrf1)  }
0xcc: {  	v10 =	vadd.f32 v10, v14;
	v17 =	vadd.f32 v20, v17;
	(xrf1) =	vsort.ascd.msk.f32 $0xffff, v31, v31;
	v18, _, _ =	vpop (xrf1)  }
0xcd: {  	v5 =	vadd.f32 v5, v7;
	v12 =	vsub.f32 v25, v12;
	(xrf1) =	vsort.dscd.msk.f32 $0xffff, v29, v29;
	v20, _, _ =	vpop (xrf1)  }
0xce: {  	v26 =	vmul.f32 v28, v26;
	v14 =	vadd.f32 v23, v22;
	v10 =	vadd.f32 v16, v10;
	v16, _, _ =	vpop (xrf1)  }
0xcf: {  	v7 =	vmin.f32 v11, v54;
	(xrf1) =	vsort.dscd.msk.f32 $0xffff, v12, v12;
	v12 =	vmin.f32 v55, v16  }
0xd0: {  	v11 =	vadd.f32 v19, v17;
	v15 =	vmin.f32 v15, v18;
	(xrf1) =	vsort.ascd.msk.f32 $0xffff, v12, v12  }
0xd1: {  	v4 =	vadd.f32 v4, v5;
	v14 =	vsub.f32 v25, v14;
	(xrf1) =	vsort.ascd.msk.f32 $0xffff, v15, v15  }
0xd2: {  	v6 =	vadd.f32 v6, v9;
	v5 =	vsub.f32 v25, v10;
	v12, _, _ =	vpop (xrf1);
	(xrf1) =	vsort.ascd.msk.f32 $0xffff, v7, v7  }
0xd3: {  	v10 =	vadd.f32 v26, v13;
	v9 =	vsub.f32 v25, v11;
	v7, _, _ =	vpop (xrf1);
	(xrf1) =	vsort.dscd.msk.f32 $0xffff, v14, v14  }
0xd4: {  	v24 =	vmul.f32 v30, v24;
	v4 =	vsub.f32 v25, v4;
	v11, _, _ =	vpop (xrf1);
	(xrf1) =	vsort.dscd.msk.f32 $0xffff, v5, v5  }
0xd5: {  	v5 =	vmul.f32 v28, v8;
	v8, _, _ =	vpop (xrf1);
	(xrf1) =	vsort.dscd.msk.f32 $0xffff, v9, v9;
	v9 =	vadd.f32 v21, v10  }
0xd6: {  	v3 =	vmul.f32 v27, v3;
	v6 =	vsub.f32 v25, v6  }
0xd7: {  	v10, _, _ =	vpop (xrf1);
	(xrf1) =	vsort.dscd.msk.f32 $0xffff, v4, v4;
	v4 =	vadd.f32 v5, v24;
	v5 =	vmin.f32 v11, v7  }
0xd8: {  	v7, _, _ =	vpop (xrf1);
	(xrf1) =	vsort.dscd.msk.f32 $0xffff, v6, v6;
	v6 =	vsub.f32 v25, v9  }
0xd9: {  	v8 =	vmin.f32 v8, v10;
	v3 =	vadd.f32 v3, v4;
	v9, _, _ =	vpop (xrf1);
	(xrf1) =	vsort.ascd.msk.f32 $0xffff, v5, v5  }
0xda: {  	v5, _, _ =	vpop (xrf1);
	(xrf1) =	vsort.ascd.msk.f32 $0xffff, v8, v8  }
0xdb: {  	s0 =	smul.f32 s30, s30;
	v4 =	vmin.f32 v7, v20;
	v3 =	vsub.f32 v25, v3;
	v7, _, _ =	vpop (xrf1);
	(xrf1) =	vsort.dscd.msk.f32 $0xffff, v6, v6  }
0xdc: {  	s1 =	smul.f32 s29, s29;
	v6 =	vmin.f32 v9, v7;
	(xrf1) =	vsort.ascd.msk.f32 $0xffff, v4, v4;
	v4 =	vmin.f32 v5, v12  }
0xdd: {  	s2 =	smul.f32 s25, s25;
	(xrf1) =	vsort.ascd.msk.f32 $0xffff, v6, v6  }
0xde: {  	s9 =	smul.f32 s21, s21;
	v5, _, _ =	vpop (xrf1);
	(xrf1) =	vsort.ascd.msk.f32 $0xffff, v4, v4  }
0xdf: {  	s10 =	smul.f32 s22, s22;
	v4, _, _ =	vpop (xrf1);
	(xrf1) =	vsort.dscd.msk.f32 $0xffff, v3, v3  }
0xe0: {  	s11 =	smul.f32 s23, s23;
	s6 =	rddreg [dreg:$0x16];
	v3, _, _ =	vpop (xrf1)  }
0xe1: {  	s12 =	smul.f32 s24, s24;
	s8 =	rddreg [dreg:$0x15];
	v6, _, _ =	vpop (xrf1)  }
0xe2: {  	s13 =	smul.f32 s26, s26;
	s21 =	rddreg [dreg:$0x12];
	v7, _, _ =	vpop (xrf1)  }
0xe3: {  	s18 =	smul.f32 s28, s28;
	s23 =	rddreg [dreg:$0x11];
	v8, _, _ =	vpop (xrf1)  }
0xe4: {  	(v2sf) =	vpush v2, $0x8;
	s26 =	smul.f32 s20, s20;
	s0 =	sadd.f32 s1, s0;
	v9, _, _ =	vpop (xrf1)  }
0xe5: {  	s25 =	smul.f32 s15, s15;
	(v2sf) =	vpush v1, $0x8;
	s10 =	sadd.f32 s10, s9;
	v10, _, _ =	vpop (xrf1);
	v4 =	vmin.f32 v4, v9  }
0xe6: {  	s17 =	smul.f32 s6, s6;
	(v2sf) =	vpush v0, $0x8;
	s12 =	sadd.f32 s13, s12;
	v3 =	vmin.f32 v3, v7;
	v11, _, _ =	vpop (xrf1)  }
0xe7: {  	s4 =	smul.f32 s4, s4;
	s13 =	rddreg [dreg:$0x13];
	(v2sf) =	vpush v2, $0x9;
	v9, _, _ =	vpop (xrf1)  }
0xe8: {  	s14 =	smul.f32 s14, s14;
	s1 =	sadd.f32 s17, s26;
	(v2sf) =	vpush v1, $0x9;
	(xrf1) =	vsort.ascd.msk.f32 $0xffff, v4, v4;
	v4, _, _ =	vpop (xrf1)  }
0xe9: {  	s15 =	smul.f32 s5, s5;
	s17 =	rddreg [dreg:$0xf];
	(v2sf) =	vpush v0, $0x9;
	v5 =	vmin.f32 v6, v5;
	(xrf1) =	vsort.ascd.msk.f32 $0xffff, v3, v3;
	v3, _, _ =	vpop (xrf1)  }
0xea: {  	s22 =	smul.f32 s21, s21;
	s9 =	sadd.f32 s2, s0;
	(v2sf) =	vpush v2, $0xA;
	(xrf1) =	vsort.ascd.msk.f32 $0xffff, v5, v5;
	v5 =	vmin.f32 v9, v11;
	v6, _, _ =	vpop (xrf1);
	v3 =	vmin.f32 v4, v3  }
0xeb: {  	s0 =	smul.f32 s8, s8;
	s8 =	sadd.f32 s11, s10;
	(v2sf) =	vpush v1, $0xA;
	(xrf1) =	vsort.ascd.msk.f32 $0xffff, v5, v5;
	v4, _, _ =	vpop (xrf1)  }
0xec: {  	s24 =	smul.f32 s23, s23;
	s11 =	rddreg [dreg:$0x14];
	(v2sf) =	vpush v0, $0xA;
	v5 =	vmin.f32 v6, v8;
	(xrf1) =	vsort.ascd.msk.f32 $0xffff, v3, v3;
	v6, _, _ =	vpop (xrf1)  }
0xed: {  	s21 =	smul.f32 s16, s16;
	s2 =	sadd.f32 s18, s12;
	(v2sf) =	vpush v2, $0xB;
	(xrf1) =	vsort.ascd.msk.f32 $0xffff, v5, v5;
	v3, _, _ =	vpop (xrf1)  }
0xee: {  	s20 =	smul.f32 s13, s13;
	s10 =	rddreg [dreg:$0x10];
	(v2sf) =	vpush v1, $0xB;
	v3 =	vmin.f32 v4, v3  }
0xef: {  	s7 =	smul.f32 s11, s11;
	s6 =	sadd.f32 s0, s1;
	(v2sf) =	vpush v0, $0xB;
	v4 =	vmin.f32 v6, v10;
	(xrf1) =	vsort.ascd.msk.f32 $0xffff, v3, v3  }
0xf0: {  	s12 =	smul.f32 s3, s3;
	s0 =	sadd.f32 s25, s24;
	(v2sf) =	vpush v2, $0xC;
	(xrf1) =	vsort.ascd.msk.f32 $0xffff, v4, v4  }
0xf1: {  	s5 =	smul.f32 s17, s17;
	s26 =	sadd.f32 s20, s7;
	(v2sf) =	vpush v1, $0xC  }
0xf2: {  	s1 =	sadd.f32 s15, s14;
	s7 =	smul.f32 s10, s10;
	(v2sf) =	vpush v0, $0xC  }
0xf3: {  	s10 =	sadd.f32 s22, s26;
	s26 =	spop (v2sf);
	(v2sf) =	vpush v2, $0xD  }
0xf4: {  	s4 =	sadd.f32 s4, s0;
	s25 =	spop (v2sf);
	(v2sf) =	vpush v1, $0xD  }
0xf5: {  	s13 =	sadd.f32 s12, s7;
	s18 =	spop (v2sf);
	(v2sf) =	vpush v0, $0xD  }
0xf6: {  	s3 =	sadd.f32 s21, s1;
	s20 =	spop (v2sf);
	(v2sf) =	vpush v2, $0xE;
	v3, _, _ =	vpop (xrf1)  }
0xf7: {  	s5 =	sadd.f32 s5, s13;
	s22 =	spop (v2sf);
	(v2sf) =	vpush v1, $0xE;
	v4, _, _ =	vpop (xrf1)  }
0xf8: {  	s24 =	sadd.f32 s26, s26;
	s23 =	spop (v2sf);
	(v2sf) =	vpush v0, $0xE;
	v5, _, _ =	vpop (xrf1)  }
0xf9: {  	[dreg:$0xd] =	wrdreg s18;
	s28 =	spop (v2sf);
	(v2sf) =	vpush v2, $0xF;
	v2, _, _ =	vpop (xrf1)  }
0xfa: {  	s15 =	sadd.f32 s18, s18;
	s29 =	spop (v2sf);
	(v2sf) =	vpush v1, $0xF;
	v1, _, _ =	vpop (xrf1)  }
0xfb: {  	s17 =	sshll.u32 s19, $0xB;
	[dreg:$0xb] =	wrdreg s20;
	s30 =	spop (v2sf);
	(v2sf) =	vpush v0, $0xF;
	v3 =	vadd.f32 s10, v3;
	v0, _, _ =	vpop (xrf1)  }
0xfc: {  	s18 =	sadd.f32 s20, s20;
	s20 =	sand.u32 $0x3FFFF800, s17;
	s31 =	spop (v2sf);
	v0 =	vadd.f32 s9, v0  }
0xfd: {  	s12 =	sadd.f32 s25, s25;
	s0 =	spop (v2sf);
	[tilespmem:s20+$0x4800] =	vst v3;
	v2 =	vadd.f32 s8, v2;
	v6, _, _ =	vpop (xrf1)  }
0xfe: {  	[dreg:$0xe] =	wrdreg s23;
	s1 =	spop (v2sf);
	[tilespmem:s20+$0x4600] =	vst v0;
	v0 =	vadd.f32 s2, v5;
	v7, _, _ =	vpop (xrf1)  }
0xff: {  	s21 =	sadd.f32 s31, s31;
	s11 =	spop (v2sf);
	[tilespmem:s20+$0x4680] =	vst v2;
	v2 =	vadd.f32 s6, v7  }
0x100: {  	s13 =	spop (v2sf);
	s7 =	sadd.f32 s11, s11;
	[tilespmem:s20+$0x4700] =	vst v0;
	v0 =	vadd.f32 s4, v1  }
0x101: {  	s14 =	spop (v2sf);
	s10 =	sadd.f32 s30, s30;
	v1 =	vadd.f32 s5, v4;
	[tilespmem:s20+$0x4780] =	vst v2  }
0x102: {  	s16 =	spop (v2sf);
	s8 =	sadd.f32 s22, s22;
	v2 =	vadd.f32 s3, v6;
	[tilespmem:s20+$0x4880] =	vst v0  }
0x103: {  	s17 =	spop (v2sf);
	s9 =	sadd.f32 s29, s29;
	[tilespmem:s20+$0x4900] =	vst v1  }
0x104: {  	v10 =	vmov s24;
	s24 =	simm.s32 $0x0;
	s2 =	sadd.f32 s23, s23;
	s3 =	spop (v2sf);
	[tilespmem:s20+$0x4980] =	vst v2  }
0x105: {  	s23 =	sadd.f32 s1, s1;
	s4 =	spop (v2sf);
	v24 =	vld [tilespmem:s24+$0x2600]  }
0x106: {  	v13 =	vmov s15;
	v14 =	vmov s7;
	s6 =	sadd.f32 s28, s28;
	s5 =	spop (v2sf);
	v25 =	vld [tilespmem:s24+$0x600]  }
0x107: {  	v15 =	vmov s10;
	v8 =	vmov s8;
	v7 =	vmov s12;
	s12 =	sadd.f32 s13, s13;
	s15 =	spop (v2sf);
	v26 =	vld [tilespmem:s24+$0x1600]  }
0x108: {  	v9 =	vmov s9;
	v3 =	vmov s2;
	v6 =	vmov s18;
	s18 =	sadd.f32 s15, s15  }
0x109: {  	s2 =	sadd.f32 s14, s14;
	v4 =	vmov s21;
	v12 =	vmov s6;
	v1 =	vmov s23;
	s6 =	spop (v2sf)  }
0x10a: {  	v17 =	vmov s12;
	s23 =	sadd.f32 s6, s6;
	v20 =	vmov s18;
	v27 =	vmul.f32 v24, v13  }
0x10b: {  	v16 =	vmov s2;
	s10 =	sadd.f32 s4, s4;
	v28 =	vmul.f32 v24, v20;
	v29 =	vmul.f32 v25, v10  }
0x10c: {  	s12 =	sadd.f32 s5, s5;
	v21 =	vmov s23;
	v30 =	vmul.f32 v24, v15;
	v31 =	vmul.f32 v26, v17  }
0x10d: {  	s21 =	sadd.f32 s16, s16;
	v22 =	vmov s10;
	v57 =	vmul.f32 v24, v16;
	v58 =	vmul.f32 v25, v21  }
0x10e: {  	[dreg:$0xc] =	wrdreg s22;
	v19 =	vmov s12;
	v59 =	vmul.f32 v25, v12;
	v60 =	vmul.f32 v25, v22  }
0x10f: {  	v11 =	vmov s21;
	s21 =	sadd.f32 s17, s17;
	v61 =	vmul.f32 v25, v14;
	v62 =	vmul.f32 v26, v19  }
0x110: {  	s22 =	sadd.f32 s0, s0;
	s8 =	spop (v2sf);
	v40 =	vmul.f32 v26, v9;
	v41 =	vmul.f32 v26, v8  }
0x111: {  	v23 =	vmov s21;
	s7 =	spop (v2sf);
	s18 =	sadd.f32 s8, s8;
	v43 =	vmul.f32 v25, v6;
	v44 =	vmul.f32 v26, v7  }
0x112: {  	v2 =	vmov s22;
	s22 =	sadd.f32 s7, s7;
	v45 =	vmul.f32 v26, v23;
	v47 =	vmul.f32 v25, v11  }
0x113: {  	s23 =	simm.s32 $0x10;
	v5 =	vmov s18;
	v48 =	vmul.f32 v24, v3;
	v25 =	vmul.f32 v25, v4  }
0x114: {  	v33 =	vld [tilespmem:s23+$0x2600];
	v0 =	vmov s22;
	v63 =	vmul.f32 v26, v5;
	v36 =	vadd.f32 v62, v60  }
0x115: {  	v50 =	vld [tilespmem:s23+$0x600];
	s22 =	sadd.f32 s3, s3;
	v26 =	vmul.f32 v26, v2;
	v35 =	vadd.f32 v40, v59;
	v46 =	vadd.f32 v41, v43  }
0x116: {  	v56 =	vmul.f32 v24, v0;
	v29 =	vadd.f32 v44, v29;
	v31 =	vadd.f32 v31, v61  }
0x117: {  	v18 =	vmov s22;
	v34 =	vadd.f32 v63, v58;
	v25 =	vadd.f32 v26, v25  }
0x118: {  	v42 =	vld [tilespmem:s24+$0x3600];
	v30 =	vadd.f32 v30, v35;
	v49 =	vmul.f32 v24, v18;
	v24 =	vmul.f32 v24, v1  }
0x119: {  	v35 =	vadd.f32 v48, v46;
	v63 =	vmul.f32 v33, v15;
	v48 =	vmul.f32 v33, v0  }
0x11a: {  	v28 =	vadd.f32 v28, v36;
	v51 =	vmul.f32 v50, v21;
	v52 =	vmul.f32 v50, v12  }
0x11b: {  	v27 =	vadd.f32 v27, v29;
	v53 =	vmul.f32 v50, v22;
	v46 =	vmul.f32 v50, v6  }
0x11c: {  	v31 =	vadd.f32 v57, v31;
	v59 =	vmul.f32 v33, v18;
	v60 =	vmul.f32 v50, v11  }
0x11d: {  	v61 =	vmul.f32 v33, v3;
	v29 =	vsub.f32 v42, v30;
	v30 =	vadd.f32 v45, v47  }
0x11e: {  	v37 =	vmul.f32 v50, v4;
	v28 =	vsub.f32 v42, v28;
	v26 =	vsub.f32 v42, v31;
	v31 =	vld [tilespmem:s23+$0x1600]  }
0x11f: {  	v27 =	vsub.f32 v42, v27;
	v24 =	vadd.f32 v24, v25;
	(xrf1) =	vsort.dscd.msk.f32 $0xffff, v29, v29  }
0x120: {  	v35 =	vsub.f32 v42, v35;
	v29 =	vadd.f32 v56, v34;
	(xrf1) =	vsort.dscd.msk.f32 $0xffff, v28, v28  }
0x121: {  	v25 =	vadd.f32 v49, v30;
	v30 =	vmul.f32 v50, v10;
	(xrf1) =	vsort.dscd.msk.f32 $0xffff, v27, v27  }
0x122: {  	v49 =	vmul.f32 v33, v16;
	v28 =	vmul.f32 v33, v20;
	(xrf1) =	vsort.dscd.msk.f32 $0xffff, v26, v26  }
0x123: {  	v24 =	vsub.f32 v42, v24;
	v27 =	vmul.f32 v33, v13;
	v26 =	vmul.f32 v31, v17  }
0x124: {  	v25 =	vsub.f32 v42, v25;
	v54 =	vmul.f32 v31, v23;
	v55 =	vmul.f32 v31, v19  }
0x125: {  	v56 =	vmul.f32 v31, v5;
	v45 =	vmul.f32 v31, v9;
	(xrf1) =	vsort.dscd.msk.f32 $0xffff, v24, v24  }
0x126: {  	s24 =	simm.s32 $0x20;
	v57 =	vmul.f32 v31, v7;
	(xrf1) =	vsort.dscd.msk.f32 $0xffff, v35, v35;
	v35 =	vadd.f32 v55, v53  }
0x127: {  	v36 =	vld [tilespmem:s24+$0x600];
	v24 =	vmul.f32 v50, v14;
	v39 =	vadd.f32 v45, v52;
	v38 =	vadd.f32 v56, v51  }
0x128: {  	v33 =	vmul.f32 v33, v1;
	v30 =	vadd.f32 v57, v30;
	v41 =	vadd.f32 v54, v60  }
0x129: {  	v58 =	vld [tilespmem:s23+$0x3600];
	(xrf1) =	vsort.dscd.msk.f32 $0xffff, v25, v25;
	v25 =	vsub.f32 v42, v29;
	v24 =	vadd.f32 v26, v24  }
0x12a: {  	v29 =	vmul.f32 v31, v8;
	v32 =	vadd.f32 v63, v39;
	v26 =	vadd.f32 v28, v35  }
0x12b: {  	v31 =	vmul.f32 v31, v2;
	v27 =	vadd.f32 v27, v30;
	v34 =	vadd.f32 v48, v38  }
0x12c: {  	v54 =	vmul.f32 v36, v10;
	v51 =	vadd.f32 v59, v41;
	v29 =	vadd.f32 v29, v46  }
0x12d: {  	v56 =	vmul.f32 v36, v21;
	v24 =	vadd.f32 v49, v24;
	v31 =	vadd.f32 v31, v37;
	v62, _, _ =	vpop (xrf1)  }
0x12e: {  	(xrf1) =	vsort.dscd.msk.f32 $0xffff, v25, v25;
	v37 =	vld [tilespmem:s24+$0x1600];
	v30 =	vsub.f32 v58, v32;
	v26 =	vsub.f32 v58, v26;
	v28, _, _ =	vpop (xrf1)  }
0x12f: {  	v57 =	vmul.f32 v36, v22;
	v27 =	vsub.f32 v58, v27;
	v34 =	vsub.f32 v58, v34;
	v50, _, _ =	vpop (xrf1)  }
0x130: {  	v63 =	vimm.f32 $+Inf;
	v29 =	vadd.f32 v61, v29;
	v24 =	vsub.f32 v58, v24;
	v25, _, _ =	vpop (xrf1)  }
0x131: {  	v31 =	vadd.f32 v33, v31;
	(xrf1) =	vsort.dscd.msk.f32 $0xffff, v30, v30;
	v25 =	vmin.f32 v63, v25  }
0x132: {  	v29 =	vsub.f32 v58, v29;
	v28 =	vmin.f32 v63, v28;
	(xrf1) =	vsort.ascd.msk.f32 $0xffff, v25, v25  }
0x133: {  	v59 =	vmul.f32 v37, v23;
	v30 =	vmin.f32 v63, v62;
	(xrf1) =	vsort.ascd.msk.f32 $0xffff, v28, v28  }
0x134: {  	v60 =	vmul.f32 v37, v19;
	v47 =	vmul.f32 v37, v5;
	(xrf1) =	vsort.ascd.msk.f32 $0xffff, v30, v30  }
0x135: {  	v48 =	vmul.f32 v37, v9;
	v61 =	vmul.f32 v37, v8;
	v25 =	vld [tilespmem:s24+$0x2600];
	(xrf1) =	vsort.dscd.msk.f32 $0xffff, v26, v26  }
0x136: {  	v43 =	vadd.f32 v60, v57;
	v42 =	vadd.f32 v47, v56;
	v28, _, _ =	vpop (xrf1);
	(xrf1) =	vsort.dscd.msk.f32 $0xffff, v27, v27  }
0x137: {  	v35 =	vmin.f32 v63, v50;
	v30, _, _ =	vpop (xrf1);
	v26 =	vsub.f32 v58, v31;
	(xrf1) =	vsort.dscd.msk.f32 $0xffff, v24, v24  }
0x138: {  	v28 =	vmin.f32 v63, v28;
	v31 =	vsub.f32 v58, v51;
	v30 =	vmin.f32 v63, v30;
	v52, _, _ =	vpop (xrf1)  }
0x139: {  	v58 =	vmul.f32 v36, v14;
	v27 =	vmin.f32 v63, v52;
	(xrf1) =	vsort.dscd.msk.f32 $0xffff, v26, v26  }
0x13a: {  	v33 =	vmul.f32 v25, v13;
	v53 =	vmul.f32 v25, v20;
	(xrf1) =	vsort.dscd.msk.f32 $0xffff, v29, v29  }
0x13b: {  	v55 =	vmul.f32 v25, v15;
	v24 =	vmul.f32 v37, v17;
	(xrf1) =	vsort.ascd.msk.f32 $0xffff, v30, v30  }
0x13c: {  	v41 =	vmul.f32 v25, v0;
	v29 =	vmul.f32 v36, v12;
	v30, _, _ =	vpop (xrf1);
	(xrf1) =	vsort.ascd.msk.f32 $0xffff, v27, v27  }
0x13d: {  	v46 =	vld [tilespmem:s24+$0x3600];
	v49 =	vmul.f32 v25, v18;
	v30 =	vmin.f32 v63, v30;
	(xrf1) =	vsort.dscd.msk.f32 $0xffff, v31, v31  }
0x13e: {  	v50 =	vmul.f32 v25, v3;
	v29 =	vadd.f32 v48, v29;
	(xrf1) =	vsort.ascd.msk.f32 $0xffff, v35, v35  }
0x13f: {  	v26 =	vmul.f32 v25, v16;
	v24 =	vadd.f32 v24, v58;
	v62, _, _ =	vpop (xrf1);
	(xrf1) =	vsort.ascd.msk.f32 $0xffff, v30, v30  }
0x140: {  	v25 =	vmul.f32 v25, v1;
	v38 =	vadd.f32 v53, v43;
	v29 =	vadd.f32 v55, v29;
	v30, _, _ =	vpop (xrf1)  }
0x141: {  	v27 =	vmul.f32 v37, v7;
	v63 =	vmul.f32 v36, v11;
	(xrf1) =	vsort.ascd.msk.f32 $0xffff, v28, v28;
	v51, _, _ =	vpop (xrf1)  }
0x142: {  	v37 =	vmul.f32 v37, v2;
	v38 =	vsub.f32 v46, v38;
	v31 =	vmul.f32 v36, v6;
	v28, _, _ =	vpop (xrf1)  }
0x143: {  	v24 =	vadd.f32 v26, v24;
	v36 =	vmul.f32 v36, v4;
	v53 =	vsub.f32 v46, v29;
	v52, _, _ =	vpop (xrf1)  }
0x144: {  	v27 =	vadd.f32 v27, v54;
	v31 =	vadd.f32 v61, v31;
	(xrf1) =	vsort.dscd.msk.f32 $0xffff, v34, v34;
	v29, _, _ =	vpop (xrf1)  }
0x145: {  	v54 =	vadd.f32 v59, v63;
	v58 =	vadd.f32 v37, v36;
	(xrf1) =	vsort.dscd.msk.f32 $0xffff, v53, v53;
	v55, _, _ =	vpop (xrf1)  }
0x146: {  	v27 =	vadd.f32 v33, v27;
	v56 =	vadd.f32 v50, v31;
	v26 =	vmin.f32 v30, v55  }
0x147: {  	s9 =	simm.s32 $0x30;
	v57 =	vmin.f32 v28, v62;
	v30 =	vmin.f32 v51, v52;
	v28, _, _ =	vpop (xrf1);
	(xrf1) =	vsort.ascd.msk.f32 $0xffff, v26, v26  }
0x148: {  	v31 =	vsub.f32 v46, v24;
	v25 =	vadd.f32 v25, v58;
	v24 =	vld [tilespmem:s9+$0x2600];
	v59, _, _ =	vpop (xrf1);
	(xrf1) =	vsort.ascd.msk.f32 $0xffff, v30, v30  }
0x149: {  	v62 =	vsub.f32 v46, v27;
	v27 =	vld [tilespmem:s9+$0x600];
	v26 =	vadd.f32 v41, v42;
	v60, _, _ =	vpop (xrf1);
	(xrf1) =	vsort.ascd.msk.f32 $0xffff, v57, v57  }
0x14a: {  	v34 =	vsub.f32 v46, v25;
	v25 =	vld [tilespmem:s9+$0x1600];
	v30 =	vadd.f32 v49, v54;
	v61, _, _ =	vpop (xrf1);
	(xrf1) =	vsort.dscd.msk.f32 $0xffff, v38, v38  }
0x14b: {  	v35 =	vsub.f32 v46, v56;
	v26 =	vsub.f32 v46, v26;
	v32 =	vmin.f32 v60, v59;
	v63, _, _ =	vpop (xrf1)  }
0x14c: {  	s10 =	simm.s32 $0x100;
	v30 =	vsub.f32 v46, v30;
	(xrf1) =	vsort.dscd.msk.f32 $0xffff, v62, v62;
	v33 =	vmin.f32 v61, v63;
	v36, _, _ =	vpop (xrf1)  }
.LBB2_7:
0x14d: {  	p0 =	sne.s32 s10, $0x3FC0;
	v37 =	vmul.f32 v24, v13;
	v38 =	vmul.f32 v24, v20;
	v29 =	vmin.f32 v36, v29;
	v36, _, _ =	vpop (xrf1);
	s2 =	smov.u32 s10;
	s10 =	sadd.s32 $0x40, s10  }
0x14e: {  	v40 =	vmul.f32 v24, v15;
	v39 =	vmul.f32 v27, v10;
	(xrf1) =	vsort.dscd.msk.f32 $0xffff, v31, v31  }
0x14f: {  	v41 =	vmul.f32 v24, v0;
	v31 =	vmul.f32 v25, v17;
	(xrf1) =	vsort.dscd.msk.f32 $0xffff, v34, v34;
	v34, _, _ =	vpop (xrf1)  }
0x150: {  	v42 =	vmul.f32 v24, v16;
	v43 =	vmul.f32 v27, v21;
	(xrf1) =	vsort.dscd.msk.f32 $0xffff, v35, v35  }
0x151: {  	v44 =	vmul.f32 v27, v22;
	v35 =	vmul.f32 v27, v12;
	v28 =	vmin.f32 v34, v28  }
0x152: {  	v45 =	vmul.f32 v25, v23;
	v34 =	vmul.f32 v27, v14;
	(xrf1) =	vsort.ascd.msk.f32 $0xffff, v32, v32;
	v32, _, _ =	vpop (xrf1)  }
0x153: {  	v46 =	vmul.f32 v25, v19;
	v47 =	vmul.f32 v25, v5;
	v48, _, _ =	vpop (xrf1);
	(xrf1) =	vsort.ascd.msk.f32 $0xffff, v33, v33  }
0x154: {  	v53 =	vmul.f32 v25, v9;
	v33 =	vmul.f32 v25, v7;
	v32 =	vmin.f32 v36, v32  }
0x155: {  	v44 =	vadd.f32 v46, v44;
	v36 =	vmul.f32 v25, v8;
	(xrf1) =	vsort.dscd.msk.f32 $0xffff, v30, v30;
	v30, _, _ =	vpop (xrf1)  }
0x156: {  	v51 =	vmul.f32 v24, v18;
	v50 =	vmul.f32 v27, v6;
	v46 =	vld [tilespmem:s9+$0x3600];
	(xrf1) =	vsort.ascd.msk.f32 $0xffff, v29, v29;
	v52, _, _ =	vpop (xrf1)  }
0x157: {  	v53 =	vadd.f32 v53, v35;
	v35 =	vmul.f32 v27, v11;
	v49, _, _ =	vpop (xrf1);
	(xrf1) =	vsort.ascd.msk.f32 $0xffff, v32, v32  }
0x158: {  	v43 =	vadd.f32 v47, v43;
	v32 =	vadd.f32 v36, v50;
	v36 =	vmul.f32 v24, v3;
	v47, _, _ =	vpop (xrf1)  }
0x159: {  	v33 =	vadd.f32 v33, v39;
	v39 =	vadd.f32 v40, v53;
	(xrf1) =	vsort.ascd.msk.f32 $0xffff, v28, v28  }
0x15a: {  	v27 =	vmul.f32 v27, v4;
	v31 =	vadd.f32 v31, v34;
	v40 =	vadd.f32 v38, v44;
	v29, _, _ =	vpop (xrf1)  }
0x15b: {  	v25 =	vmul.f32 v25, v2;
	v33 =	vadd.f32 v37, v33;
	v34 =	vsub.f32 v46, v39  }
0x15c: {  	v35 =	vadd.f32 v45, v35;
	v37 =	vsub.f32 v46, v40;
	v38, _, _ =	vpop (xrf1);
	(xrf1) =	vsort.dscd.msk.f32 $0xffff, v26, v26  }
0x15d: {  	v36 =	vadd.f32 v36, v32;
	v26 =	vmin.f32 v49, v48;
	(xrf1) =	vsort.dscd.msk.f32 $0xffff, v34, v34;
	v28, _, _ =	vpop (xrf1)  }
0x15e: {  	v31 =	vadd.f32 v42, v31;
	v39 =	vmin.f32 v52, v47;
	v30 =	vmin.f32 v30, v38;
	v38, _, _ =	vpop (xrf1)  }
0x15f: {  	v25 =	vadd.f32 v25, v27;
	s9 =	sshra.s32 s2, $0x2;
	v34 =	vmul.f32 v24, v1;
	(xrf1) =	vsort.ascd.msk.f32 $0xffff, v30, v30  }
.Ltmp2:
0x160: {  	v31 =	vsub.f32 v46, v31;
	v30 =	vadd.f32 v41, v43;
	v24 =	vld [tilespmem:s9+$0x2600];
	(xrf1) =	vsort.ascd.msk.f32 $0xffff, v39, v39;
	v32, _, _ =	vpop (xrf1);
	(pc) =	sbr.rel @p0 .LBB2_7-.Ltmp2, $4  }
0x161: {  	v35 =	vadd.f32 v51, v35;
	v34 =	vadd.f32 v34, v25;
	v27 =	vld [tilespmem:s9+$0x600];
	(xrf1) =	vsort.ascd.msk.f32 $0xffff, v26, v26;
	v39, _, _ =	vpop (xrf1)  }
0x162: {  	v33 =	vsub.f32 v46, v33;
	v26 =	vsub.f32 v46, v30;
	v25 =	vld [tilespmem:s9+$0x1600];
	(xrf1) =	vsort.dscd.msk.f32 $0xffff, v37, v37  }
0x163: {  	v34 =	vsub.f32 v46, v34;
	v30 =	vsub.f32 v46, v35;
	v32 =	vmin.f32 v32, v38;
	v37, _, _ =	vpop (xrf1)  }
0x164: {  	v35 =	vsub.f32 v46, v36;
	(xrf1) =	vsort.dscd.msk.f32 $0xffff, v33, v33;
	v33 =	vmin.f32 v39, v37;
	v36, _, _ =	vpop (xrf1)  }
0x165: {  	v13 =	vmul.f32 v24, v13  }
0x166: {  	(xrf1) =	vsort.dscd.msk.f32 $0xffff, v31, v31;
	v20 =	vmul.f32 v24, v20;
	v15 =	vmul.f32 v24, v15  }
0x167: {  	v16 =	vmul.f32 v24, v16;
	v18 =	vmul.f32 v24, v18  }
0x168: {  	v3 =	vmul.f32 v24, v3;
	v1 =	vmul.f32 v24, v1  }
0x169: {  	v29 =	vmin.f32 v36, v29;
	v10 =	vmul.f32 v27, v10;
	v21 =	vmul.f32 v27, v21  }
0x16a: {  	v47, _, _ =	vpop (xrf1);
	(xrf1) =	vsort.dscd.msk.f32 $0xffff, v34, v34;
	v12 =	vmul.f32 v27, v12;
	v22 =	vmul.f32 v27, v22  }
0x16b: {  	v14 =	vmul.f32 v27, v14;
	v6 =	vmul.f32 v27, v6;
	v48, _, _ =	vpop (xrf1);
	(xrf1) =	vsort.dscd.msk.f32 $0xffff, v35, v35  }
0x16c: {  	v4 =	vmul.f32 v27, v4;
	v17 =	vmul.f32 v25, v17;
	(xrf1) =	vsort.ascd.msk.f32 $0xffff, v32, v32  }
0x16d: {  	v19 =	vmul.f32 v25, v19;
	v9 =	vmul.f32 v25, v9;
	v49, _, _ =	vpop (xrf1);
	(xrf1) =	vsort.ascd.msk.f32 $0xffff, v33, v33  }
0x16e: {  	v50 =	vld [tilespmem:s9+$0x3600];
	v7 =	vmul.f32 v25, v7;
	v8 =	vmul.f32 v25, v8;
	v51, _, _ =	vpop (xrf1);
	(xrf1) =	vsort.dscd.msk.f32 $0xffff, v30, v30  }
0x16f: {  	v9 =	vadd.f32 v9, v12;
	v31 =	vmin.f32 v47, v49;
	v52, _, _ =	vpop (xrf1);
	(xrf1) =	vsort.ascd.msk.f32 $0xffff, v29, v29  }
0x170: {  	v2 =	vmul.f32 v25, v2;
	v28 =	vmin.f32 v48, v28;
	v53, _, _ =	vpop (xrf1);
	(xrf1) =	vsort.ascd.msk.f32 $0xffff, v31, v31  }
0x171: {  	v19 =	vadd.f32 v19, v22;
	v9 =	vadd.f32 v15, v9;
	v54, _, _ =	vpop (xrf1);
	(xrf1) =	vsort.ascd.msk.f32 $0xffff, v28, v28  }
0x172: {  	v6 =	vadd.f32 v8, v6;
	v7 =	vadd.f32 v7, v10;
	v55, _, _ =	vpop (xrf1);
	(xrf1) =	vsort.dscd.msk.f32 $0xffff, v26, v26  }
0x173: {  	v11 =	vmul.f32 v27, v11;
	v14 =	vadd.f32 v17, v14;
	v9 =	vsub.f32 v50, v9;
	v57, _, _ =	vpop (xrf1)  }
0x174: {  	v23 =	vmul.f32 v25, v23;
	v2 =	vadd.f32 v2, v4;
	v56 =	vadd.f32 v20, v19;
	v58, _, _ =	vpop (xrf1)  }
0x175: {  	v7 =	vadd.f32 v13, v7;
	(xrf1) =	vsort.dscd.msk.f32 $0xffff, v9, v9;
	v59 =	vmin.f32 v52, v58  }
0x176: {  	v61 =	vadd.f32 v16, v14;
	v12 =	vmin.f32 v53, v55;
	(xrf1) =	vsort.ascd.msk.f32 $0xffff, v59, v59  }
0x177: {  	v10 =	vsub.f32 v50, v56;
	v60 =	vmin.f32 v54, v51;
	(xrf1) =	vsort.ascd.msk.f32 $0xffff, v12, v12  }
0x178: {  	v1 =	vadd.f32 v1, v2;
	v63 =	vsub.f32 v50, v7;
	v62, _, _ =	vpop (xrf1);
	(xrf1) =	vsort.ascd.msk.f32 $0xffff, v60, v60  }
0x179: {  	v3 =	vadd.f32 v3, v6;
	v13 =	vsub.f32 v50, v61;
	v12, _, _ =	vpop (xrf1);
	(xrf1) =	vsort.dscd.msk.f32 $0xffff, v10, v10  }
0x17a: {  	v14 =	vadd.f32 v23, v11;
	v1 =	vsub.f32 v50, v1;
	v15, _, _ =	vpop (xrf1);
	(xrf1) =	vsort.dscd.msk.f32 $0xffff, v63, v63  }
0x17b: {  	v16 =	vmul.f32 v25, v5;
	v3 =	vsub.f32 v50, v3;
	v19, _, _ =	vpop (xrf1);
	(xrf1) =	vsort.dscd.msk.f32 $0xffff, v13, v13  }
0x17c: {  	v0 =	vmul.f32 v24, v0;
	v20 =	vadd.f32 v18, v14;
	v22, _, _ =	vpop (xrf1);
	(xrf1) =	vsort.dscd.msk.f32 $0xffff, v1, v1  }
0x17d: {  	v23 =	vadd.f32 v16, v21;
	v24 =	vmin.f32 v15, v12;
	v25, _, _ =	vpop (xrf1);
	(xrf1) =	vsort.dscd.msk.f32 $0xffff, v3, v3  }
0x17e: {  	v26 =	vsub.f32 v50, v20;
	v5 =	vmin.f32 v19, v22;
	v27, _, _ =	vpop (xrf1);
	(xrf1) =	vsort.ascd.msk.f32 $0xffff, v24, v24  }
0x17f: {  	v28, _, _ =	vpop (xrf1);
	(xrf1) =	vsort.ascd.msk.f32 $0xffff, v5, v5  }
0x180: {  	v0 =	vadd.f32 v0, v23;
	v29 =	vmin.f32 v25, v57;
	v30, _, _ =	vpop (xrf1);
	(xrf1) =	vsort.dscd.msk.f32 $0xffff, v26, v26  }
0x181: {  	v31 =	vmin.f32 v27, v30;
	(xrf1) =	vsort.ascd.msk.f32 $0xffff, v29, v29  }
0x182: {  	v0 =	vsub.f32 v50, v0;
	v33 =	vmin.f32 v28, v62;
	(xrf1) =	vsort.ascd.msk.f32 $0xffff, v31, v31  }
0x183: {  	v34, _, _ =	vpop (xrf1);
	(xrf1) =	vsort.ascd.msk.f32 $0xffff, v33, v33  }
0x184: {  	v35, _, _ =	vpop (xrf1);
	(xrf1) =	vsort.dscd.msk.f32 $0xffff, v0, v0  }
0x185: {  	v36, _, _ =	vpop (xrf1)  }
0x186: {  	v37, _, _ =	vpop (xrf1)  }
0x187: {  	v38, _, _ =	vpop (xrf1)  }
0x188: {  	v39, _, _ =	vpop (xrf1)  }
0x189: {  	v40, _, _ =	vpop (xrf1)  }
0x18a: {  	s2 =	smul.f32 s26, s26;
	v41, _, _ =	vpop (xrf1)  }
0x18b: {  	s26 =	smul.f32 s25, s25;
	v42, _, _ =	vpop (xrf1)  }
0x18c: {  	s22 =	smul.f32 s28, s28;
	v43, _, _ =	vpop (xrf1)  }
0x18d: {  	s23 =	smul.f32 s29, s29;
	v1 =	vmin.f32 v35, v40;
	v44, _, _ =	vpop (xrf1)  }
0x18e: {  	s24 =	smul.f32 s30, s30;
	v0 =	vmin.f32 v36, v38;
	(xrf1) =	vsort.ascd.msk.f32 $0xffff, v1, v1;
	v45, _, _ =	vpop (xrf1)  }
0x18f: {  	s30 =	smul.f32 s31, s31;
	v2 =	vmin.f32 v37, v34;
	(xrf1) =	vsort.ascd.msk.f32 $0xffff, v0, v0;
	v47, _, _ =	vpop (xrf1)  }
0x190: {  	s10 =	rddreg [dreg:$0xd];
	s0 =	smul.f32 s0, s0;
	(xrf1) =	vsort.ascd.msk.f32 $0xffff, v2, v2;
	v46 =	vmin.f32 v43, v42;
	v48, _, _ =	vpop (xrf1)  }
0x191: {  	s12 =	rddreg [dreg:$0xb];
	s11 =	smul.f32 s11, s11;
	(xrf1) =	vsort.ascd.msk.f32 $0xffff, v46, v46;
	v0 =	vmin.f32 v44, v45;
	v50, _, _ =	vpop (xrf1)  }
0x192: {  	s18 =	rddreg [dreg:$0xc];
	s13 =	smul.f32 s13, s13;
	v49 =	vmin.f32 v47, v39;
	(xrf1) =	vsort.ascd.msk.f32 $0xffff, v0, v0;
	v51, _, _ =	vpop (xrf1)  }
0x193: {  	s21 =	rddreg [dreg:$0xe];
	s4 =	smul.f32 s4, s4;
	(xrf1) =	vsort.ascd.msk.f32 $0xffff, v49, v49;
	v0 =	vmin.f32 v48, v51  }
0x194: {  	s5 =	smul.f32 s5, s5;
	s2 =	sadd.f32 s26, s2;
	v52 =	vmin.f32 v50, v41;
	(xrf1) =	vsort.ascd.msk.f32 $0xffff, v0, v0  }
0x195: {  	s12 =	smul.f32 s12, s12;
	s0 =	sadd.f32 s0, s30;
	(xrf1) =	vsort.ascd.msk.f32 $0xffff, v52, v52  }
0x196: {  	s18 =	smul.f32 s18, s18;
	s25 =	sadd.f32 s13, s11  }
0x197: {  	s10 =	smul.f32 s10, s10;
	s4 =	sadd.f32 s5, s4  }
0x198: {  	s21 =	smul.f32 s21, s21;
	s31 =	sadd.f32 s18, s12  }
0x199: {  	s30 =	smul.f32 s15, s15;
	s18 =	sadd.f32 s23, s22  }
0x19a: {  	s22 =	smul.f32 s16, s16;
	s2 =	sadd.f32 s10, s2  }
0x19b: {  	s9 =	sadd.f32 s21, s31;
	s21 =	smul.f32 s14, s14  }
0x19c: {  	s23 =	smul.f32 s17, s17;
	s12 =	sadd.f32 s24, s18;
	v53, _, _ =	vpop (xrf1)  }
0x19d: {  	s24 =	smul.f32 s3, s3;
	s3 =	sadd.f32 s21, s25;
	v54, _, _ =	vpop (xrf1)  }
0x19e: {  	s1 =	smul.f32 s1, s1;
	s4 =	sadd.f32 s30, s4;
	v55, _, _ =	vpop (xrf1)  }
0x19f: {  	s28 =	smul.f32 s6, s6;
	s26 =	sadd.f32 s23, s22;
	v0 =	vadd.f32 s3, v53;
	v56, _, _ =	vpop (xrf1)  }
0x1a0: {  	s29 =	smul.f32 s8, s8;
	s0 =	sadd.f32 s1, s0;
	v1 =	vadd.f32 s4, v54;
	v57, _, _ =	vpop (xrf1)  }
0x1a1: {  	s1 =	sadd.f32 s24, s26;
	v2 =	vadd.f32 s12, v55;
	[tilespmem:s20+$0x4C00] =	vst v0;
	v58, _, _ =	vpop (xrf1)  }
0x1a2: {  	s19 =	sadd.s32 $0x1, s19;
	s31 =	smul.f32 s7, s7;
	v3 =	vadd.f32 s9, v56;
	[tilespmem:s20+$0x4D00] =	vst v1;
	v5 =	vadd.f32 s2, v58;
	s2 =	sadd.f32 s29, s28;
	v59, _, _ =	vpop (xrf1)  }
0x1a3: {  	p0 =	sne.s32 s19, $0x20;
	[tilespmem:s20+$0x4B00] =	vst v2;
	v62 =	vadd.f32 s1, v57;
	v60, _, _ =	vpop (xrf1)  }
.Ltmp3:
0x1a4: {  	[tilespmem:s20+$0x4A80] =	vst v3;
	v61 =	vadd.f32 s0, v60;
	s0 =	sadd.f32 s31, s2;
	(pc) =	sbr.rel @p0 .LBB2_4-.Ltmp3, $4  }
0x1a5: {  	[tilespmem:s20+$0x4C80] =	vst v62  }
0x1a6: {  	[tilespmem:s20+$0x4A00] =	vst v5;
	v63 =	vadd.f32 s0, v59  }
0x1a7: {  	[tilespmem:s20+$0x4B80] =	vst v61  }
0x1a8: {  	[tilespmem:s20+$0x4D80] =	vst v63  }
0x1a9: {  	s6 =	simm.s32 $0x0  }
0x1aa: {  	s0 =	rddreg [dreg:$0x8];
	s1 =	simm.s32 $0x4600;
	s2 =	simm.s32 $0x1  }
0x1ab: {  	[hbm4b:s0+s6] =	stream.linear.scatter [tilespmem:s1], [sflag:$0x1], $0x10000, $0x38;
	[tilespmem:$0x14600] =	vst v63  }
0x1ac: {  	_ =	swait.ge [sflag:s2], $0x10000  }
0x1ad: {  	s30 =	rddreg [dreg:$0xa]  }
0x1ae: {  	s31 =	rddreg [dreg:$0x9];
	s1 =	sadd.s32 $0x1, s30  }
0x1af: {  	p0 =	sne.s32 s1, s31  }
.Ltmp4:
0x1b0: {  	_ = 	snop;
	(pc) =	sbr.rel @p0 .LBB2_1-.Ltmp4, $3  }
0x1b1: {  	_ =	sdelay $0x1  }
0x1b2: {  	[sflag:s2] =	ssyncset.done $0x0  }
0x1b3: {  	[sflag:s2] =	ssyncadd.s32 $0xFFFF0000  }
0x1b4: {  	_ =	sfence.sel $0x180000  }
0x1b5: {  	[bflag:$0x0] =	sbarrier.arrive $0xFFFF  }
0x1b6: {  	_ =	strace $0x90000047  }
0x1b7: {  	s0 =	stileid.u32;
	[bflag:$0x2] =	sbarrier.arrive $0xFFFF  }
0x1b8: {  	p0 =	sne.s32 s0, $0x0;
	s0 =	rddreg [dreg:$0x1]  }
0x1b9: {  	s0 =	sadd.s32 @!p0 $0x100000, s0  }
0x1ba: {  	[sflag:s0] =	ssyncadd.tile.s32 @!p0 $0x1;
	_ =	shalt  }
.Lfunc_end2:
_tile_overlayer_lowered:
.L_overlay_start_2:
0x1bb: {  	(tag) =	ssettag $0x2  }
0x1bc: {  	s0 =	rddreg [dreg:$0x0];
	s2 =	stileid.u32  }
0x1bd: {  	s1 =	rddreg [dreg:$0x1];
	p0 =	sne.s32 s2, $0x0  }
0x1be: {  	s3 =	rddreg [dreg:$0x2];
	[bflag:$0x3] =	sbarrier.arrive $0xFFFF;
	s2 =	simm.s32 @!p0 $0x1C01  }
0x1bf: {  	[timem:s3], [sflag:s2] =	dma.local @!p0 [hbm:s0], s1  }
0x1c0: {  	s0 =	simm.s32 @!p0 $0x1  }
0x1c1: {  	_ =	swait.ge @!p0 [sflag:s0], s1  }
0x1c2: {  	s1 =	ssub.s32 @!p0 $0x0, s1;
	[sflag:s0] =	ssyncset.done @!p0 $0x0  }
0x1c3: {  	[sflag:s0] =	ssyncadd.s32 @!p0 s1  }
0x1c4: {  	[bflag:$0x3] =	sbarrier.arrive $0xFFFF  }
0x1c5: {  	_ =	shalt  }

</sc_bundles>
